<compile_context>
chip_gen: v7x
topology: tpu7x:2x2x1
jax: 0.10.2.dev20260603
libtpu: 0.0.44.dev20260713+nightly
codegen_flags: <defaults>
</compile_context>

<pallas_src>
import jax
import jax.numpy as jnp
from jax import lax
from jax.experimental import pallas as pl
from jax.experimental.pallas import tpu as pltpu
from jax.experimental.pallas import tpu_sc as plsc

N_NODES = 10000
N_EDGES = 320000
HID = 128

NC = 2
NS = 16
NW = NC * NS
CHUNK = 128
N_CHUNKS_PAD = 2560
CPW = N_CHUNKS_PAD // NW
N_EDGES_PAD = N_CHUNKS_PAD * CHUNK
TBL_ROWS = N_NODES + 8
DUMMY = N_NODES


def _k1_body(nf, w0a, w0b, pa, pb):
    x = nf[...]
    pa[...] = jnp.dot(x, w0a[...], preferred_element_type=jnp.float32)
    pb[...] = jnp.dot(x, w0b[...], preferred_element_type=jnp.float32)


def _project(nf, w0a, w0b):
    B = 1000
    grid = N_NODES // B
    return pl.pallas_call(
        _k1_body,
        grid=(grid,),
        in_specs=[
            pl.BlockSpec((B, HID), lambda i: (i, 0)),
            pl.BlockSpec((HID, HID), lambda i: (0, 0)),
            pl.BlockSpec((HID, HID), lambda i: (0, 0)),
        ],
        out_specs=[
            pl.BlockSpec((B, HID), lambda i: (i, 0)),
            pl.BlockSpec((B, HID), lambda i: (i, 0)),
        ],
        out_shape=[
            jax.ShapeDtypeStruct((TBL_ROWS, HID), jnp.float32),
            jax.ShapeDtypeStruct((TBL_ROWS, HID), jnp.float32),
        ],
    )(nf, w0a, w0b)


def _k2_body(sidx_hbm, ridx_hbm, pa_hbm, pb_hbm, ga_hbm, gb_hbm,
             sidx_v, ridx_v, rows_a, rows_b, sem_a, sem_b):
    wid = lax.axis_index("s") * NC + lax.axis_index("c")

    def chunk(t, carry):
        c = wid + NW * t
        pltpu.sync_copy(sidx_hbm.at[c], sidx_v)
        pltpu.sync_copy(ridx_hbm.at[c], ridx_v)
        cp_a = pltpu.async_copy(pa_hbm.at[sidx_v], rows_a, sem_a)
        cp_b = pltpu.async_copy(pb_hbm.at[ridx_v], rows_b, sem_b)
        cp_a.wait()
        cp_b.wait()
        pltpu.sync_copy(rows_a, ga_hbm.at[c])
        pltpu.sync_copy(rows_b, gb_hbm.at[c])
        return carry

    lax.fori_loop(0, CPW, chunk, 0)


def _gather(sidx, ridx, pa, pb):
    mesh = plsc.VectorSubcoreMesh(core_axis_name="c", subcore_axis_name="s")
    f = pl.kernel(
        _k2_body,
        out_type=[
            jax.ShapeDtypeStruct((N_CHUNKS_PAD, CHUNK, HID), jnp.float32),
            jax.ShapeDtypeStruct((N_CHUNKS_PAD, CHUNK, HID), jnp.float32),
        ],
        mesh=mesh,
        scratch_types=[
            pltpu.VMEM((CHUNK,), jnp.int32),
            pltpu.VMEM((CHUNK,), jnp.int32),
            pltpu.VMEM((CHUNK, HID), jnp.float32),
            pltpu.VMEM((CHUNK, HID), jnp.float32),
            pltpu.SemaphoreType.DMA,
            pltpu.SemaphoreType.DMA,
        ],
    )
    return f(sidx, ridx, pa, pb)


def _k3_body(ga, gb, ef, w0c, b0, w1, b1, w2, b2, g, beta, pre, res):
    e = ef[...]
    h = ga[...] + gb[...] + jnp.dot(e, w0c[...], preferred_element_type=jnp.float32)
    h = jnp.maximum(h + b0[...], 0.0)
    h = jnp.maximum(jnp.dot(h, w1[...], preferred_element_type=jnp.float32) + b1[...], 0.0)
    h = jnp.dot(h, w2[...], preferred_element_type=jnp.float32) + b2[...]
    mu = jnp.mean(h, axis=-1, keepdims=True)
    d = h - mu
    var = jnp.mean(d * d, axis=-1, keepdims=True)
    ln = g[...] * d * lax.rsqrt(var + 1e-5) + beta[...]
    pre[...] = ln
    res[...] = ln + e


def _edge_mlp(ga, gb, ef, w0c, b0, w1, b1, w2, b2, g, beta):
    B = 2000
    grid = N_EDGES // B
    wspec = pl.BlockSpec((HID, HID), lambda i: (0, 0))
    vspec = pl.BlockSpec((1, HID), lambda i: (0, 0))
    rspec = pl.BlockSpec((B, HID), lambda i: (i, 0))
    return pl.pallas_call(
        _k3_body,
        grid=(grid,),
        in_specs=[rspec, rspec, rspec, wspec, vspec, wspec, vspec, wspec,
                  vspec, vspec, vspec],
        out_specs=[rspec, rspec],
        out_shape=[
            jax.ShapeDtypeStruct((N_EDGES_PAD, HID), jnp.float32),
            jax.ShapeDtypeStruct((N_EDGES, HID), jnp.float32),
        ],
    )(ga, gb, ef, w0c, b0, w1, b1, w2, b2, g, beta)


def _k4_body(ridx_hbm, pre_hbm, zeros_hbm, out_hbm,
             ridx_v, rows0, rows1, ls0, ls1, acc):
    cid = lax.axis_index("c")
    sid = lax.axis_index("s")
    base = (sid * NC + cid) * CPW
    rows = (rows0, rows1)
    ls = (ls0, ls1)

    pltpu.sync_copy(ridx_hbm.at[pl.ds(base, CPW)], ridx_v)

    @pl.when(sid == 0)
    def _():
        pltpu.sync_copy(zeros_hbm, acc)

    plsc.subcore_barrier()

    pltpu.async_copy(pre_hbm.at[base], rows[0], ls[0])

    def body(i, carry):
        for b in range(2):
            t = 2 * i + b
            pltpu.make_async_copy(pre_hbm.at[base], rows[b], ls[b]).wait()

            @pl.when(t + 1 < CPW)
            def _(b=b, t=t):
                pltpu.async_copy(pre_hbm.at[base + t + 1], rows[1 - b], ls[1 - b])

            pltpu.sync_copy(rows[b], acc.at[ridx_v.at[t]], add=True)
        return carry

    lax.fori_loop(0, CPW // 2, body, 0)
    plsc.subcore_barrier()

    @pl.when(sid == 0)
    def _():
        pltpu.sync_copy(acc.at[pl.ds(0, N_NODES)], out_hbm.at[cid])


def _scatter(ridx, pre, zeros):
    mesh = plsc.VectorSubcoreMesh(core_axis_name="c", subcore_axis_name="s")
    f = pl.kernel(
        _k4_body,
        out_type=jax.ShapeDtypeStruct((NC, N_NODES, HID), jnp.float32),
        mesh=mesh,
        scratch_types=[
            pltpu.VMEM((CPW, CHUNK), jnp.int32),
            pltpu.VMEM((CHUNK, HID), jnp.float32),
            pltpu.VMEM((CHUNK, HID), jnp.float32),
            pltpu.SemaphoreType.DMA,
            pltpu.SemaphoreType.DMA,
            pltpu.VMEM_SHARED((TBL_ROWS, HID), jnp.float32),
        ],
    )
    return f(ridx, pre, zeros)


def _k5_body(nf, p0, p1, w0a, w0b, b0, w1, b1, w2, b2, g, beta, out):
    x = nf[...]
    a = p0[0] + p1[0]
    h = (jnp.dot(x, w0a[...], preferred_element_type=jnp.float32)
         + jnp.dot(a, w0b[...], preferred_element_type=jnp.float32))
    h = jnp.maximum(h + b0[...], 0.0)
    h = jnp.maximum(jnp.dot(h, w1[...], preferred_element_type=jnp.float32) + b1[...], 0.0)
    h = jnp.dot(h, w2[...], preferred_element_type=jnp.float32) + b2[...]
    mu = jnp.mean(h, axis=-1, keepdims=True)
    d = h - mu
    var = jnp.mean(d * d, axis=-1, keepdims=True)
    out[...] = g[...] * d * lax.rsqrt(var + 1e-5) + beta[...] + x


def _node_mlp(nf, partials, w0a, w0b, b0, w1, b1, w2, b2, g, beta):
    B = 1000
    grid = N_NODES // B
    wspec = pl.BlockSpec((HID, HID), lambda i: (0, 0))
    vspec = pl.BlockSpec((1, HID), lambda i: (0, 0))
    rspec = pl.BlockSpec((B, HID), lambda i: (i, 0))
    return pl.pallas_call(
        _k5_body,
        grid=(grid,),
        in_specs=[
            rspec,
            pl.BlockSpec((1, B, HID), lambda i: (0, i, 0)),
            pl.BlockSpec((1, B, HID), lambda i: (1, i, 0)),
            wspec, wspec, vspec, wspec, vspec, wspec, vspec, vspec, vspec,
        ],
        out_specs=rspec,
        out_shape=jax.ShapeDtypeStruct((N_NODES, HID), jnp.float32),
    )(nf, partials, partials, w0a, w0b, b0, w1, b1, w2, b2, g, beta)


def kernel(edge_idx, node_features, edge_features,
           e_W0, e_b0, e_W1, e_b1, e_W2, e_b2, e_g, e_beta,
           n_W0, n_b0, n_W1, n_b1, n_W2, n_b2, n_g, n_beta):
    ei = edge_idx.astype(jnp.int32)
    pad = jnp.full((2, N_EDGES_PAD - N_EDGES), DUMMY, jnp.int32)
    ei = jnp.concatenate([ei, pad], axis=1)
    senders = ei[0].reshape(N_CHUNKS_PAD, CHUNK)
    receivers = ei[1].reshape(N_CHUNKS_PAD, CHUNK)

    e_w0a = e_W0[:HID]
    e_w0b = e_W0[HID:2 * HID]
    e_w0c = e_W0[2 * HID:]
    n_w0a = n_W0[:HID]
    n_w0b = n_W0[HID:]

    r1 = lambda v: v.reshape(1, HID)

    pa, pb = _project(node_features, e_w0a, e_w0b)
    ga, gb = _gather(senders, receivers, pa, pb)
    ga = ga.reshape(N_EDGES_PAD, HID)
    gb = gb.reshape(N_EDGES_PAD, HID)
    pre, new_edge = _edge_mlp(ga, gb, edge_features, e_w0c, r1(e_b0),
                              e_W1, r1(e_b1), e_W2, r1(e_b2),
                              r1(e_g), r1(e_beta))
    zeros = jnp.zeros((TBL_ROWS, HID), jnp.float32)
    partials = _scatter(receivers, pre.reshape(N_CHUNKS_PAD, CHUNK, HID), zeros)
    new_node = _node_mlp(node_features, partials, n_w0a, n_w0b, r1(n_b0),
                         n_W1, r1(n_b1), n_W2, r1(n_b2), r1(n_g), r1(n_beta))
    return (new_node, new_edge)

# --- scband reference (transcript-rebuilt; emitter-appended) ---
"""Pipeline reference for scband-graph-net-block-31533649887539 (READ-ONLY COPY).

The authoritative reference and input builder live on the scoring server;
editing this copy changes nothing except your own understanding.
"""

import jax, jax.numpy as jnp
import numpy as np

HID = 128
N_NODES = 10000
N_EDGES = 320000


def _mlp(x, W0, b0, W1, b1, W2, b2, g, beta):
    h = jax.nn.relu(x @ W0 + b0)
    h = jax.nn.relu(h @ W1 + b1)
    h = h @ W2 + b2
    mu = jnp.mean(h, axis=-1, keepdims=True)
    var = jnp.var(h, axis=-1, keepdims=True)
    return g * (h - mu) / jnp.sqrt(var + 1e-5) + beta


def setup_inputs(seed: int = 0) -> dict:
    key = jax.random.key(seed)
    ks = jax.random.split(key, 20)
    inp = {}
    inp['edge_idx'] = jax.random.randint(ks[0], (2, N_EDGES), 0, N_NODES, dtype=jnp.int64) if jax.config.read('jax_enable_x64') else jax.random.randint(ks[0], (2, N_EDGES), 0, N_NODES).astype(jnp.int32)
    inp['node_features'] = jax.random.normal(ks[1], (N_NODES, HID), dtype=jnp.float32)
    inp['edge_features'] = jax.random.normal(ks[2], (N_EDGES, HID), dtype=jnp.float32)
    # edge MLP params: input_dim = 3*HID
    inp['e_W0'] = jax.random.normal(ks[3], (3 * HID, HID), dtype=jnp.float32) * 0.05
    inp['e_b0'] = jnp.zeros((HID,), dtype=jnp.float32)
    inp['e_W1'] = jax.random.normal(ks[4], (HID, HID), dtype=jnp.float32) * 0.05
    inp['e_b1'] = jnp.zeros((HID,), dtype=jnp.float32)
    inp['e_W2'] = jax.random.normal(ks[5], (HID, HID), dtype=jnp.float32) * 0.05
    inp['e_b2'] = jnp.zeros((HID,), dtype=jnp.float32)
    inp['e_g'] = jnp.ones((HID,), dtype=jnp.float32)
    inp['e_beta'] = jnp.zeros((HID,), dtype=jnp.float32)
    # node MLP params: input_dim = 2*HID
    inp['n_W0'] = jax.random.normal(ks[6], (2 * HID, HID), dtype=jnp.float32) * 0.05
    inp['n_b0'] = jnp.zeros((HID,), dtype=jnp.float32)
    inp['n_W1'] = jax.random.normal(ks[7], (HID, HID), dtype=jnp.float32) * 0.05
    inp['n_b1'] = jnp.zeros((HID,), dtype=jnp.float32)
    inp['n_W2'] = jax.random.normal(ks[8], (HID, HID), dtype=jnp.float32) * 0.05
    inp['n_b2'] = jnp.zeros((HID,), dtype=jnp.float32)
    inp['n_g'] = jnp.ones((HID,), dtype=jnp.float32)
    inp['n_beta'] = jnp.zeros((HID,), dtype=jnp.float32)
    return inp


def reference(edge_idx, node_features, edge_features,
              e_W0, e_b0, e_W1, e_b1, e_W2, e_b2, e_g, e_beta,
              n_W0, n_b0, n_W1, n_b1, n_W2, n_b2, n_g, n_beta):
    senders = edge_idx[0]
    receivers = edge_idx[1]
    # edge update
    sender_f = jnp.take(node_features, senders, axis=0)
    receiver_f = jnp.take(node_features, receivers, axis=0)
    e_in = jnp.concatenate([sender_f, receiver_f, edge_features], axis=-1)
    new_edge = _mlp(e_in, e_W0, e_b0, e_W1, e_b1, e_W2, e_b2, e_g, e_beta)
    # node update: scatter-add new edge features to receivers
    acc = jax.ops.segment_sum(new_edge, receivers, num_segments=node_features.shape[0])
    n_in = jnp.concatenate([node_features, acc], axis=-1)
    new_node = _mlp(n_in, n_W0, n_b0, n_W1, n_b1, n_W2, n_b2, n_g, n_beta)
    # residuals
    new_node = new_node + node_features
    new_edge = new_edge + edge_features
    return (new_node, new_edge)

if __name__ == "__main__":
    import jax
    _d = setup_inputs()
    print(jax.jit(kernel)(*tuple(_d.values())))

</pallas_src>

<mosaic_0001>
#map = affine_map<(d0, d1) -> (0, 0)>
#map1 = affine_map<(d0, d1) -> (0, 0, 0)>
module attributes {stable_mosaic.version = 14 : i64} {
  func.func @_k2_body(%arg0: i32, %arg1: i32, %arg2: memref<2560x128xi32, #tpu.memory_space<hbm>>, %arg3: memref<2560x128xi32, #tpu.memory_space<hbm>>, %arg4: memref<10008x128xf32, #tpu.memory_space<hbm>>, %arg5: memref<10008x128xf32, #tpu.memory_space<hbm>>, %arg6: memref<2560x128x128xf32, #tpu.memory_space<hbm>>, %arg7: memref<2560x128x128xf32, #tpu.memory_space<hbm>>, %arg8: memref<128xi32, #tpu.memory_space<vmem>>, %arg9: memref<128xi32, #tpu.memory_space<vmem>>, %arg10: memref<128x128xf32, #tpu.memory_space<vmem>>, %arg11: memref<128x128xf32, #tpu.memory_space<vmem>>, %arg12: memref<!tpu.dma_semaphore, #tpu.memory_space<semaphore_mem>>, %arg13: memref<!tpu.dma_semaphore, #tpu.memory_space<semaphore_mem>>) attributes {dimension_semantics = [#tpu.dimension_semantics<core_parallel>, #tpu.dimension_semantics<subcore_parallel>], iteration_bounds = array<i64: 2, 16>, scalar_prefetch = 0 : i64, scratch_operands = 6 : i64, tpu.core_type = #tpu.core_type<sc_vector_subcore>, window_params = [{transform_indices = #map}, {transform_indices = #map}, {transform_indices = #map}, {transform_indices = #map}, {transform_indices = #map1}, {transform_indices = #map1}]} {
    %mul3A = arith.constant 2 : i32
    %mul3A_0 = arith.muli %arg1, %mul3A : i32
    %add3A = arith.addi %mul3A_0, %arg0 : i32
    %scan3A = arith.constant 0 : i32
    %scan3A_1 = arith.constant 0 : i32
    %scan3A_2 = arith.constant 80 : i32
    %scan3A_3 = arith.addi %scan3A_1, %scan3A_2 : i32
    %scan3A_4 = arith.constant 1 : i32
    scf.for %scan3A_6 = %scan3A_1 to %scan3A_3 step %scan3A_4  : i32 {
      %mul3A_7 = arith.constant 32 : i32
      %mul3A_8 = arith.muli %mul3A_7, %scan3A_6 : i32
      %add3A_9 = arith.addi %add3A, %mul3A_8 : i32
      "tpu.region"() ({
        %run_scoped3A = tpu.sem_alloc : memref<!tpu.dma_semaphore, #tpu.memory_space<semaphore_mem>>
        %dma_start3A_20 = arith.constant 0 : i32
        %dma_start3A_21 = tpu.memref_slice %arg2[%add3A_9, %dma_start3A_20] : memref<2560x128xi32, #tpu.memory_space<hbm>> -> memref<1x128xi32, #tpu.memory_space<hbm>>
        %dma_start3A_22 = tpu.memref_squeeze %dma_start3A_21 : memref<1x128xi32, #tpu.memory_space<hbm>> -> memref<128xi32, #tpu.memory_space<hbm>>
        %dma_start3A_23 = arith.constant 0 : i32
        %dma_start3A_24 = tpu.memref_slice %arg2[%add3A_9, %dma_start3A_23] : memref<2560x128xi32, #tpu.memory_space<hbm>> -> memref<1x128xi32, #tpu.memory_space<hbm>>
        %dma_start3A_25 = tpu.memref_squeeze %dma_start3A_24 : memref<1x128xi32, #tpu.memory_space<hbm>> -> memref<128xi32, #tpu.memory_space<hbm>>
        tpu.enqueue_dma source(%dma_start3A_25 : memref<128xi32, #tpu.memory_space<hbm>>) target(%arg8 : memref<128xi32, #tpu.memory_space<vmem>>) target_semaphore(%run_scoped3A : memref<!tpu.dma_semaphore, #tpu.memory_space<semaphore_mem>>)
        %dma_wait3A_26 = arith.constant 0 : i32
        %dma_wait3A_27 = tpu.memref_slice %arg2[%add3A_9, %dma_wait3A_26] : memref<2560x128xi32, #tpu.memory_space<hbm>> -> memref<1x128xi32, #tpu.memory_space<hbm>>
        %dma_wait3A_28 = tpu.memref_squeeze %dma_wait3A_27 : memref<1x128xi32, #tpu.memory_space<hbm>> -> memref<128xi32, #tpu.memory_space<hbm>>
        %dma_wait3A_29 = arith.constant 0 : i32
        %dma_wait3A_30 = tpu.memref_slice %arg2[%add3A_9, %dma_wait3A_29] : memref<2560x128xi32, #tpu.memory_space<hbm>> -> memref<1x128xi32, #tpu.memory_space<hbm>>
        %dma_wait3A_31 = tpu.memref_squeeze %dma_wait3A_30 : memref<1x128xi32, #tpu.memory_space<hbm>> -> memref<128xi32, #tpu.memory_space<hbm>>
        tpu.wait_dma2 semaphore(%run_scoped3A : memref<!tpu.dma_semaphore, #tpu.memory_space<semaphore_mem>>) src(%dma_wait3A_31 : memref<128xi32, #tpu.memory_space<hbm>>) dst(%arg8 : memref<128xi32, #tpu.memory_space<vmem>>)
        tpu.yield
      }) : () -> ()
      "tpu.region"() ({
        %run_scoped3A = tpu.sem_alloc : memref<!tpu.dma_semaphore, #tpu.memory_space<semaphore_mem>>
        %dma_start3A_20 = arith.constant 0 : i32
        %dma_start3A_21 = tpu.memref_slice %arg3[%add3A_9, %dma_start3A_20] : memref<2560x128xi32, #tpu.memory_space<hbm>> -> memref<1x128xi32, #tpu.memory_space<hbm>>
        %dma_start3A_22 = tpu.memref_squeeze %dma_start3A_21 : memref<1x128xi32, #tpu.memory_space<hbm>> -> memref<128xi32, #tpu.memory_space<hbm>>
        %dma_start3A_23 = arith.constant 0 : i32
        %dma_start3A_24 = tpu.memref_slice %arg3[%add3A_9, %dma_start3A_23] : memref<2560x128xi32, #tpu.memory_space<hbm>> -> memref<1x128xi32, #tpu.memory_space<hbm>>
        %dma_start3A_25 = tpu.memref_squeeze %dma_start3A_24 : memref<1x128xi32, #tpu.memory_space<hbm>> -> memref<128xi32, #tpu.memory_space<hbm>>
        tpu.enqueue_dma source(%dma_start3A_25 : memref<128xi32, #tpu.memory_space<hbm>>) target(%arg9 : memref<128xi32, #tpu.memory_space<vmem>>) target_semaphore(%run_scoped3A : memref<!tpu.dma_semaphore, #tpu.memory_space<semaphore_mem>>)
        %dma_wait3A_26 = arith.constant 0 : i32
        %dma_wait3A_27 = tpu.memref_slice %arg3[%add3A_9, %dma_wait3A_26] : memref<2560x128xi32, #tpu.memory_space<hbm>> -> memref<1x128xi32, #tpu.memory_space<hbm>>
        %dma_wait3A_28 = tpu.memref_squeeze %dma_wait3A_27 : memref<1x128xi32, #tpu.memory_space<hbm>> -> memref<128xi32, #tpu.memory_space<hbm>>
        %dma_wait3A_29 = arith.constant 0 : i32
        %dma_wait3A_30 = tpu.memref_slice %arg3[%add3A_9, %dma_wait3A_29] : memref<2560x128xi32, #tpu.memory_space<hbm>> -> memref<1x128xi32, #tpu.memory_space<hbm>>
        %dma_wait3A_31 = tpu.memref_squeeze %dma_wait3A_30 : memref<1x128xi32, #tpu.memory_space<hbm>> -> memref<128xi32, #tpu.memory_space<hbm>>
        tpu.wait_dma2 semaphore(%run_scoped3A : memref<!tpu.dma_semaphore, #tpu.memory_space<semaphore_mem>>) src(%dma_wait3A_31 : memref<128xi32, #tpu.memory_space<hbm>>) dst(%arg9 : memref<128xi32, #tpu.memory_space<vmem>>)
        tpu.yield
      }) : () -> ()
      %dma_start3A = arith.constant 0 : i32
      %dma_start3A_10 = arith.constant 0 : i32
      %dma_start3A_11 = tpu.memref_slice %arg4[%dma_start3A, %dma_start3A_10] : memref<10008x128xf32, #tpu.memory_space<hbm>> -> memref<10008x128xf32, #tpu.memory_space<hbm>>
      tpu.enqueue_indirect_dma source(%dma_start3A_11 : memref<10008x128xf32, #tpu.memory_space<hbm>>) target(%arg10 : memref<128x128xf32, #tpu.memory_space<vmem>>) offsets(%arg8 : memref<128xi32, #tpu.memory_space<vmem>>) semaphore(%arg12 : memref<!tpu.dma_semaphore, #tpu.memory_space<semaphore_mem>>)
      %dma_start3A_12 = arith.constant 0 : i32
      %dma_start3A_13 = arith.constant 0 : i32
      %dma_start3A_14 = tpu.memref_slice %arg5[%dma_start3A_12, %dma_start3A_13] : memref<10008x128xf32, #tpu.memory_space<hbm>> -> memref<10008x128xf32, #tpu.memory_space<hbm>>
      tpu.enqueue_indirect_dma source(%dma_start3A_14 : memref<10008x128xf32, #tpu.memory_space<hbm>>) target(%arg11 : memref<128x128xf32, #tpu.memory_space<vmem>>) offsets(%arg9 : memref<128xi32, #tpu.memory_space<vmem>>) semaphore(%arg13 : memref<!tpu.dma_semaphore, #tpu.memory_space<semaphore_mem>>)
      %dma_wait3A = arith.constant 0 : i32
      %dma_wait3A_15 = arith.constant 0 : i32
      %dma_wait3A_16 = tpu.memref_slice %arg4[%dma_wait3A, %dma_wait3A_15] : memref<10008x128xf32, #tpu.memory_space<hbm>> -> memref<10008x128xf32, #tpu.memory_space<hbm>>
      tpu.wait_indirect_dma semaphore(%arg12 : memref<!tpu.dma_semaphore, #tpu.memory_space<semaphore_mem>>) src(%dma_wait3A_16 : memref<10008x128xf32, #tpu.memory_space<hbm>>) dst(%arg10 : memref<128x128xf32, #tpu.memory_space<vmem>>)
      %dma_wait3A_17 = arith.constant 0 : i32
      %dma_wait3A_18 = arith.constant 0 : i32
      %dma_wait3A_19 = tpu.memref_slice %arg5[%dma_wait3A_17, %dma_wait3A_18] : memref<10008x128xf32, #tpu.memory_space<hbm>> -> memref<10008x128xf32, #tpu.memory_space<hbm>>
      tpu.wait_indirect_dma semaphore(%arg13 : memref<!tpu.dma_semaphore, #tpu.memory_space<semaphore_mem>>) src(%dma_wait3A_19 : memref<10008x128xf32, #tpu.memory_space<hbm>>) dst(%arg11 : memref<128x128xf32, #tpu.memory_space<vmem>>)
      "tpu.region"() ({
        %run_scoped3A = tpu.sem_alloc : memref<!tpu.dma_semaphore, #tpu.memory_space<semaphore_mem>>
        %dma_start3A_20 = arith.constant 0 : i32
        %dma_start3A_21 = arith.constant 0 : i32
        %dma_start3A_22 = tpu.memref_slice %arg6[%add3A_9, %dma_start3A_20, %dma_start3A_21] : memref<2560x128x128xf32, #tpu.memory_space<hbm>> -> memref<1x128x128xf32, #tpu.memory_space<hbm>>
        %dma_start3A_23 = tpu.memref_squeeze %dma_start3A_22 : memref<1x128x128xf32, #tpu.memory_space<hbm>> -> memref<128x128xf32, #tpu.memory_space<hbm>>
        %dma_start3A_24 = arith.constant 0 : i32
        %dma_start3A_25 = arith.constant 0 : i32
        %dma_start3A_26 = tpu.memref_slice %arg6[%add3A_9, %dma_start3A_24, %dma_start3A_25] : memref<2560x128x128xf32, #tpu.memory_space<hbm>> -> memref<1x128x128xf32, #tpu.memory_space<hbm>>
        %dma_start3A_27 = tpu.memref_squeeze %dma_start3A_26 : memref<1x128x128xf32, #tpu.memory_space<hbm>> -> memref<128x128xf32, #tpu.memory_space<hbm>>
        tpu.enqueue_dma source(%arg10 : memref<128x128xf32, #tpu.memory_space<vmem>>) target(%dma_start3A_27 : memref<128x128xf32, #tpu.memory_space<hbm>>) target_semaphore(%run_scoped3A : memref<!tpu.dma_semaphore, #tpu.memory_space<semaphore_mem>>)
        %dma_wait3A_28 = arith.constant 0 : i32
        %dma_wait3A_29 = arith.constant 0 : i32
        %dma_wait3A_30 = tpu.memref_slice %arg6[%add3A_9, %dma_wait3A_28, %dma_wait3A_29] : memref<2560x128x128xf32, #tpu.memory_space<hbm>> -> memref<1x128x128xf32, #tpu.memory_space<hbm>>
        %dma_wait3A_31 = tpu.memref_squeeze %dma_wait3A_30 : memref<1x128x128xf32, #tpu.memory_space<hbm>> -> memref<128x128xf32, #tpu.memory_space<hbm>>
        %dma_wait3A_32 = arith.constant 0 : i32
        %dma_wait3A_33 = arith.constant 0 : i32
        %dma_wait3A_34 = tpu.memref_slice %arg6[%add3A_9, %dma_wait3A_32, %dma_wait3A_33] : memref<2560x128x128xf32, #tpu.memory_space<hbm>> -> memref<1x128x128xf32, #tpu.memory_space<hbm>>
        %dma_wait3A_35 = tpu.memref_squeeze %dma_wait3A_34 : memref<1x128x128xf32, #tpu.memory_space<hbm>> -> memref<128x128xf32, #tpu.memory_space<hbm>>
        tpu.wait_dma2 semaphore(%run_scoped3A : memref<!tpu.dma_semaphore, #tpu.memory_space<semaphore_mem>>) src(%arg10 : memref<128x128xf32, #tpu.memory_space<vmem>>) dst(%dma_wait3A_35 : memref<128x128xf32, #tpu.memory_space<hbm>>)
        tpu.yield
      }) : () -> ()
      "tpu.region"() ({
        %run_scoped3A = tpu.sem_alloc : memref<!tpu.dma_semaphore, #tpu.memory_space<semaphore_mem>>
        %dma_start3A_20 = arith.constant 0 : i32
        %dma_start3A_21 = arith.constant 0 : i32
        %dma_start3A_22 = tpu.memref_slice %arg7[%add3A_9, %dma_start3A_20, %dma_start3A_21] : memref<2560x128x128xf32, #tpu.memory_space<hbm>> -> memref<1x128x128xf32, #tpu.memory_space<hbm>>
        %dma_start3A_23 = tpu.memref_squeeze %dma_start3A_22 : memref<1x128x128xf32, #tpu.memory_space<hbm>> -> memref<128x128xf32, #tpu.memory_space<hbm>>
        %dma_start3A_24 = arith.constant 0 : i32
        %dma_start3A_25 = arith.constant 0 : i32
        %dma_start3A_26 = tpu.memref_slice %arg7[%add3A_9, %dma_start3A_24, %dma_start3A_25] : memref<2560x128x128xf32, #tpu.memory_space<hbm>> -> memref<1x128x128xf32, #tpu.memory_space<hbm>>
        %dma_start3A_27 = tpu.memref_squeeze %dma_start3A_26 : memref<1x128x128xf32, #tpu.memory_space<hbm>> -> memref<128x128xf32, #tpu.memory_space<hbm>>
        tpu.enqueue_dma source(%arg11 : memref<128x128xf32, #tpu.memory_space<vmem>>) target(%dma_start3A_27 : memref<128x128xf32, #tpu.memory_space<hbm>>) target_semaphore(%run_scoped3A : memref<!tpu.dma_semaphore, #tpu.memory_space<semaphore_mem>>)
        %dma_wait3A_28 = arith.constant 0 : i32
        %dma_wait3A_29 = arith.constant 0 : i32
        %dma_wait3A_30 = tpu.memref_slice %arg7[%add3A_9, %dma_wait3A_28, %dma_wait3A_29] : memref<2560x128x128xf32, #tpu.memory_space<hbm>> -> memref<1x128x128xf32, #tpu.memory_space<hbm>>
        %dma_wait3A_31 = tpu.memref_squeeze %dma_wait3A_30 : memref<1x128x128xf32, #tpu.memory_space<hbm>> -> memref<128x128xf32, #tpu.memory_space<hbm>>
        %dma_wait3A_32 = arith.constant 0 : i32
        %dma_wait3A_33 = arith.constant 0 : i32
        %dma_wait3A_34 = tpu.memref_slice %arg7[%add3A_9, %dma_wait3A_32, %dma_wait3A_33] : memref<2560x128x128xf32, #tpu.memory_space<hbm>> -> memref<1x128x128xf32, #tpu.memory_space<hbm>>
        %dma_wait3A_35 = tpu.memref_squeeze %dma_wait3A_34 : memref<1x128x128xf32, #tpu.memory_space<hbm>> -> memref<128x128xf32, #tpu.memory_space<hbm>>
        tpu.wait_dma2 semaphore(%run_scoped3A : memref<!tpu.dma_semaphore, #tpu.memory_space<semaphore_mem>>) src(%arg11 : memref<128x128xf32, #tpu.memory_space<vmem>>) dst(%dma_wait3A_35 : memref<128x128xf32, #tpu.memory_space<hbm>>)
        tpu.yield
      }) : () -> ()
    }
    %scan3A_5 = arith.constant 80 : i32
    return
  }
}

#map = affine_map<(d0, d1) -> (0, 0)>
#map1 = affine_map<(d0, d1) -> (0, 0, 0)>
module attributes {stable_mosaic.version = 14 : i64} {
  func.func @_k4_body(%arg0: i32, %arg1: i32, %arg2: memref<2560x128xi32, #tpu.memory_space<hbm>>, %arg3: memref<2560x128x128xf32, #tpu.memory_space<hbm>>, %arg4: memref<10008x128xf32, #tpu.memory_space<hbm>>, %arg5: memref<2x10000x128xf32, #tpu.memory_space<hbm>>, %arg6: memref<80x128xi32, #tpu.memory_space<vmem>>, %arg7: memref<128x128xf32, #tpu.memory_space<vmem>>, %arg8: memref<128x128xf32, #tpu.memory_space<vmem>>, %arg9: memref<!tpu.dma_semaphore, #tpu.memory_space<semaphore_mem>>, %arg10: memref<!tpu.dma_semaphore, #tpu.memory_space<semaphore_mem>>, %arg11: memref<10008x128xf32, #tpu.memory_space<vmem_shared>>) attributes {dimension_semantics = [#tpu.dimension_semantics<core_parallel>, #tpu.dimension_semantics<subcore_parallel>], iteration_bounds = array<i64: 2, 16>, scalar_prefetch = 0 : i64, scratch_operands = 6 : i64, tpu.core_type = #tpu.core_type<sc_vector_subcore>, window_params = [{transform_indices = #map}, {transform_indices = #map1}, {transform_indices = #map}, {transform_indices = #map1}]} {
    %mul3A = arith.constant 2 : i32
    %mul3A_0 = arith.muli %arg1, %mul3A : i32
    %add3A = arith.addi %mul3A_0, %arg0 : i32
    %mul3A_1 = arith.constant 80 : i32
    %mul3A_2 = arith.muli %add3A, %mul3A_1 : i32
    "tpu.region"() ({
      %run_scoped3A = tpu.sem_alloc : memref<!tpu.dma_semaphore, #tpu.memory_space<semaphore_mem>>
      %dma_start3A_23 = arith.constant 0 : i32
      %dma_start3A_24 = tpu.memref_slice %arg2[%mul3A_2, %dma_start3A_23] : memref<2560x128xi32, #tpu.memory_space<hbm>> -> memref<80x128xi32, #tpu.memory_space<hbm>>
      %dma_start3A_25 = arith.constant 0 : i32
      %dma_start3A_26 = tpu.memref_slice %arg2[%mul3A_2, %dma_start3A_25] : memref<2560x128xi32, #tpu.memory_space<hbm>> -> memref<80x128xi32, #tpu.memory_space<hbm>>
      tpu.enqueue_dma source(%dma_start3A_26 : memref<80x128xi32, #tpu.memory_space<hbm>>) target(%arg6 : memref<80x128xi32, #tpu.memory_space<vmem>>) target_semaphore(%run_scoped3A : memref<!tpu.dma_semaphore, #tpu.memory_space<semaphore_mem>>)
      %dma_wait3A = arith.constant 0 : i32
      %dma_wait3A_27 = tpu.memref_slice %arg2[%mul3A_2, %dma_wait3A] : memref<2560x128xi32, #tpu.memory_space<hbm>> -> memref<80x128xi32, #tpu.memory_space<hbm>>
      %dma_wait3A_28 = arith.constant 0 : i32
      %dma_wait3A_29 = tpu.memref_slice %arg2[%mul3A_2, %dma_wait3A_28] : memref<2560x128xi32, #tpu.memory_space<hbm>> -> memref<80x128xi32, #tpu.memory_space<hbm>>
      tpu.wait_dma2 semaphore(%run_scoped3A : memref<!tpu.dma_semaphore, #tpu.memory_space<semaphore_mem>>) src(%dma_wait3A_29 : memref<80x128xi32, #tpu.memory_space<hbm>>) dst(%arg6 : memref<80x128xi32, #tpu.memory_space<vmem>>)
      tpu.yield
    }) : () -> ()
    %eq3A = arith.constant 0 : i32
    %eq3A_3 = arith.cmpi eq, %arg1, %eq3A : i32
    %convert_element_type3A = arith.extui %eq3A_3 : i1 to i32
    %cond3A = arith.constant 0 : i32
    %cond3A_4 = arith.cmpi ne, %convert_element_type3A, %cond3A : i32
    scf.if %cond3A_4 {
      "tpu.region"() ({
        %run_scoped3A = tpu.sem_alloc : memref<!tpu.dma_semaphore, #tpu.memory_space<semaphore_mem>>
        tpu.enqueue_dma source(%arg4 : memref<10008x128xf32, #tpu.memory_space<hbm>>) target(%arg11 : memref<10008x128xf32, #tpu.memory_space<vmem_shared>>) target_semaphore(%run_scoped3A : memref<!tpu.dma_semaphore, #tpu.memory_space<semaphore_mem>>)
        tpu.wait_dma2 semaphore(%run_scoped3A : memref<!tpu.dma_semaphore, #tpu.memory_space<semaphore_mem>>) src(%arg4 : memref<10008x128xf32, #tpu.memory_space<hbm>>) dst(%arg11 : memref<10008x128xf32, #tpu.memory_space<vmem_shared>>)
        tpu.yield
      }) : () -> ()
    } else {
    }
    %barrier3A = arith.constant 0 : index
    tpu.barrier barrier_id(%barrier3A)
    %dma_start3A = arith.constant 0 : i32
    %dma_start3A_5 = arith.constant 0 : i32
    %dma_start3A_6 = tpu.memref_slice %arg3[%mul3A_2, %dma_start3A, %dma_start3A_5] : memref<2560x128x128xf32, #tpu.memory_space<hbm>> -> memref<1x128x128xf32, #tpu.memory_space<hbm>>
    %dma_start3A_7 = tpu.memref_squeeze %dma_start3A_6 : memref<1x128x128xf32, #tpu.memory_space<hbm>> -> memref<128x128xf32, #tpu.memory_space<hbm>>
    %dma_start3A_8 = arith.constant 0 : i32
    %dma_start3A_9 = arith.constant 0 : i32
    %dma_start3A_10 = tpu.memref_slice %arg3[%mul3A_2, %dma_start3A_8, %dma_start3A_9] : memref<2560x128x128xf32, #tpu.memory_space<hbm>> -> memref<1x128x128xf32, #tpu.memory_space<hbm>>
    %dma_start3A_11 = tpu.memref_squeeze %dma_start3A_10 : memref<1x128x128xf32, #tpu.memory_space<hbm>> -> memref<128x128xf32, #tpu.memory_space<hbm>>
    tpu.enqueue_dma source(%dma_start3A_11 : memref<128x128xf32, #tpu.memory_space<hbm>>) target(%arg7 : memref<128x128xf32, #tpu.memory_space<vmem>>) target_semaphore(%arg9 : memref<!tpu.dma_semaphore, #tpu.memory_space<semaphore_mem>>)
    %scan3A = arith.constant 0 : i32
    %scan3A_12 = arith.constant 0 : i32
    %scan3A_13 = arith.constant 40 : i32
    %scan3A_14 = arith.addi %scan3A_12, %scan3A_13 : i32
    %scan3A_15 = arith.constant 1 : i32
    scf.for %scan3A_23 = %scan3A_12 to %scan3A_14 step %scan3A_15  : i32 {
      %mul3A_24 = arith.constant 2 : i32
      %mul3A_25 = arith.muli %mul3A_24, %scan3A_23 : i32
      %add3A_26 = arith.constant 0 : i32
      %add3A_27 = arith.addi %mul3A_25, %add3A_26 : i32
      %dma_wait3A = arith.constant 0 : i32
      %dma_wait3A_28 = arith.constant 0 : i32
      %dma_wait3A_29 = tpu.memref_slice %arg3[%mul3A_2, %dma_wait3A, %dma_wait3A_28] : memref<2560x128x128xf32, #tpu.memory_space<hbm>> -> memref<1x128x128xf32, #tpu.memory_space<hbm>>
      %dma_wait3A_30 = tpu.memref_squeeze %dma_wait3A_29 : memref<1x128x128xf32, #tpu.memory_space<hbm>> -> memref<128x128xf32, #tpu.memory_space<hbm>>
      %dma_wait3A_31 = arith.constant 0 : i32
      %dma_wait3A_32 = arith.constant 0 : i32
      %dma_wait3A_33 = tpu.memref_slice %arg3[%mul3A_2, %dma_wait3A_31, %dma_wait3A_32] : memref<2560x128x128xf32, #tpu.memory_space<hbm>> -> memref<1x128x128xf32, #tpu.memory_space<hbm>>
      %dma_wait3A_34 = tpu.memref_squeeze %dma_wait3A_33 : memref<1x128x128xf32, #tpu.memory_space<hbm>> -> memref<128x128xf32, #tpu.memory_space<hbm>>
      tpu.wait_dma2 semaphore(%arg9 : memref<!tpu.dma_semaphore, #tpu.memory_space<semaphore_mem>>) src(%dma_wait3A_34 : memref<128x128xf32, #tpu.memory_space<hbm>>) dst(%arg7 : memref<128x128xf32, #tpu.memory_space<vmem>>)
      %add3A_35 = arith.constant 1 : i32
      %add3A_36 = arith.addi %add3A_27, %add3A_35 : i32
      %lt3A = arith.constant 80 : i32
      %lt3A_37 = arith.cmpi slt, %add3A_36, %lt3A : i32
      %convert_element_type3A_38 = arith.extui %lt3A_37 : i1 to i32
      %cond3A_39 = arith.constant 0 : i32
      %cond3A_40 = arith.cmpi ne, %convert_element_type3A_38, %cond3A_39 : i32
      scf.if %cond3A_40 {
        %add3A_60 = arith.addi %mul3A_2, %add3A_27 : i32
        %add3A_61 = arith.constant 1 : i32
        %add3A_62 = arith.addi %add3A_60, %add3A_61 : i32
        %dma_start3A_63 = arith.constant 0 : i32
        %dma_start3A_64 = arith.constant 0 : i32
        %dma_start3A_65 = tpu.memref_slice %arg3[%add3A_62, %dma_start3A_63, %dma_start3A_64] : memref<2560x128x128xf32, #tpu.memory_space<hbm>> -> memref<1x128x128xf32, #tpu.memory_space<hbm>>
        %dma_start3A_66 = tpu.memref_squeeze %dma_start3A_65 : memref<1x128x128xf32, #tpu.memory_space<hbm>> -> memref<128x128xf32, #tpu.memory_space<hbm>>
        %dma_start3A_67 = arith.constant 0 : i32
        %dma_start3A_68 = arith.constant 0 : i32
        %dma_start3A_69 = tpu.memref_slice %arg3[%add3A_62, %dma_start3A_67, %dma_start3A_68] : memref<2560x128x128xf32, #tpu.memory_space<hbm>> -> memref<1x128x128xf32, #tpu.memory_space<hbm>>
        %dma_start3A_70 = tpu.memref_squeeze %dma_start3A_69 : memref<1x128x128xf32, #tpu.memory_space<hbm>> -> memref<128x128xf32, #tpu.memory_space<hbm>>
        tpu.enqueue_dma source(%dma_start3A_70 : memref<128x128xf32, #tpu.memory_space<hbm>>) target(%arg8 : memref<128x128xf32, #tpu.memory_space<vmem>>) target_semaphore(%arg10 : memref<!tpu.dma_semaphore, #tpu.memory_space<semaphore_mem>>)
      } else {
      }
      "tpu.region"() ({
        %run_scoped3A = tpu.sem_alloc : memref<!tpu.dma_semaphore, #tpu.memory_space<semaphore_mem>>
        %dma_start3A_60 = arith.constant 0 : i32
        %dma_start3A_61 = tpu.memref_slice %arg6[%add3A_27, %dma_start3A_60] : memref<80x128xi32, #tpu.memory_space<vmem>> -> memref<1x128xi32, #tpu.memory_space<vmem>>
        %dma_start3A_62 = tpu.memref_squeeze %dma_start3A_61 : memref<1x128xi32, #tpu.memory_space<vmem>> -> memref<128xi32, #tpu.memory_space<vmem>>
        %dma_start3A_63 = arith.constant 0 : i32
        %dma_start3A_64 = arith.constant 0 : i32
        %dma_start3A_65 = tpu.memref_slice %arg11[%dma_start3A_63, %dma_start3A_64] : memref<10008x128xf32, #tpu.memory_space<vmem_shared>> -> memref<10008x128xf32, #tpu.memory_space<vmem_shared>>
        tpu.enqueue_indirect_dma source(%arg7 : memref<128x128xf32, #tpu.memory_space<vmem>>) target(%dma_start3A_65 : memref<10008x128xf32, #tpu.memory_space<vmem_shared>>) offsets(%dma_start3A_62 : memref<128xi32, #tpu.memory_space<vmem>>) semaphore(%run_scoped3A : memref<!tpu.dma_semaphore, #tpu.memory_space<semaphore_mem>>) {add = true}
        %dma_wait3A_66 = arith.constant 0 : i32
        %dma_wait3A_67 = tpu.memref_slice %arg6[%add3A_27, %dma_wait3A_66] : memref<80x128xi32, #tpu.memory_space<vmem>> -> memref<1x128xi32, #tpu.memory_space<vmem>>
        %dma_wait3A_68 = tpu.memref_squeeze %dma_wait3A_67 : memref<1x128xi32, #tpu.memory_space<vmem>> -> memref<128xi32, #tpu.memory_space<vmem>>
        %dma_wait3A_69 = arith.constant 0 : i32
        %dma_wait3A_70 = arith.constant 0 : i32
        %dma_wait3A_71 = tpu.memref_slice %arg11[%dma_wait3A_69, %dma_wait3A_70] : memref<10008x128xf32, #tpu.memory_space<vmem_shared>> -> memref<10008x128xf32, #tpu.memory_space<vmem_shared>>
        tpu.wait_indirect_dma semaphore(%run_scoped3A : memref<!tpu.dma_semaphore, #tpu.memory_space<semaphore_mem>>) src(%arg7 : memref<128x128xf32, #tpu.memory_space<vmem>>) dst(%dma_wait3A_71 : memref<10008x128xf32, #tpu.memory_space<vmem_shared>>)
        tpu.yield
      }) : () -> ()
      %mul3A_41 = arith.constant 2 : i32
      %mul3A_42 = arith.muli %mul3A_41, %scan3A_23 : i32
      %add3A_43 = arith.constant 1 : i32
      %add3A_44 = arith.addi %mul3A_42, %add3A_43 : i32
      %dma_wait3A_45 = arith.constant 0 : i32
      %dma_wait3A_46 = arith.constant 0 : i32
      %dma_wait3A_47 = tpu.memref_slice %arg3[%mul3A_2, %dma_wait3A_45, %dma_wait3A_46] : memref<2560x128x128xf32, #tpu.memory_space<hbm>> -> memref<1x128x128xf32, #tpu.memory_space<hbm>>
      %dma_wait3A_48 = tpu.memref_squeeze %dma_wait3A_47 : memref<1x128x128xf32, #tpu.memory_space<hbm>> -> memref<128x128xf32, #tpu.memory_space<hbm>>
      %dma_wait3A_49 = arith.constant 0 : i32
      %dma_wait3A_50 = arith.constant 0 : i32
      %dma_wait3A_51 = tpu.memref_slice %arg3[%mul3A_2, %dma_wait3A_49, %dma_wait3A_50] : memref<2560x128x128xf32, #tpu.memory_space<hbm>> -> memref<1x128x128xf32, #tpu.memory_space<hbm>>
      %dma_wait3A_52 = tpu.memref_squeeze %dma_wait3A_51 : memref<1x128x128xf32, #tpu.memory_space<hbm>> -> memref<128x128xf32, #tpu.memory_space<hbm>>
      tpu.wait_dma2 semaphore(%arg10 : memref<!tpu.dma_semaphore, #tpu.memory_space<semaphore_mem>>) src(%dma_wait3A_52 : memref<128x128xf32, #tpu.memory_space<hbm>>) dst(%arg8 : memref<128x128xf32, #tpu.memory_space<vmem>>)
      %add3A_53 = arith.constant 1 : i32
      %add3A_54 = arith.addi %add3A_44, %add3A_53 : i32
      %lt3A_55 = arith.constant 80 : i32
      %lt3A_56 = arith.cmpi slt, %add3A_54, %lt3A_55 : i32
      %convert_element_type3A_57 = arith.extui %lt3A_56 : i1 to i32
      %cond3A_58 = arith.constant 0 : i32
      %cond3A_59 = arith.cmpi ne, %convert_element_type3A_57, %cond3A_58 : i32
      scf.if %cond3A_59 {
        %add3A_60 = arith.addi %mul3A_2, %add3A_44 : i32
        %add3A_61 = arith.constant 1 : i32
        %add3A_62 = arith.addi %add3A_60, %add3A_61 : i32
        %dma_start3A_63 = arith.constant 0 : i32
        %dma_start3A_64 = arith.constant 0 : i32
        %dma_start3A_65 = tpu.memref_slice %arg3[%add3A_62, %dma_start3A_63, %dma_start3A_64] : memref<2560x128x128xf32, #tpu.memory_space<hbm>> -> memref<1x128x128xf32, #tpu.memory_space<hbm>>
        %dma_start3A_66 = tpu.memref_squeeze %dma_start3A_65 : memref<1x128x128xf32, #tpu.memory_space<hbm>> -> memref<128x128xf32, #tpu.memory_space<hbm>>
        %dma_start3A_67 = arith.constant 0 : i32
        %dma_start3A_68 = arith.constant 0 : i32
        %dma_start3A_69 = tpu.memref_slice %arg3[%add3A_62, %dma_start3A_67, %dma_start3A_68] : memref<2560x128x128xf32, #tpu.memory_space<hbm>> -> memref<1x128x128xf32, #tpu.memory_space<hbm>>
        %dma_start3A_70 = tpu.memref_squeeze %dma_start3A_69 : memref<1x128x128xf32, #tpu.memory_space<hbm>> -> memref<128x128xf32, #tpu.memory_space<hbm>>
        tpu.enqueue_dma source(%dma_start3A_70 : memref<128x128xf32, #tpu.memory_space<hbm>>) target(%arg7 : memref<128x128xf32, #tpu.memory_space<vmem>>) target_semaphore(%arg9 : memref<!tpu.dma_semaphore, #tpu.memory_space<semaphore_mem>>)
      } else {
      }
      "tpu.region"() ({
        %run_scoped3A = tpu.sem_alloc : memref<!tpu.dma_semaphore, #tpu.memory_space<semaphore_mem>>
        %dma_start3A_60 = arith.constant 0 : i32
        %dma_start3A_61 = tpu.memref_slice %arg6[%add3A_44, %dma_start3A_60] : memref<80x128xi32, #tpu.memory_space<vmem>> -> memref<1x128xi32, #tpu.memory_space<vmem>>
        %dma_start3A_62 = tpu.memref_squeeze %dma_start3A_61 : memref<1x128xi32, #tpu.memory_space<vmem>> -> memref<128xi32, #tpu.memory_space<vmem>>
        %dma_start3A_63 = arith.constant 0 : i32
        %dma_start3A_64 = arith.constant 0 : i32
        %dma_start3A_65 = tpu.memref_slice %arg11[%dma_start3A_63, %dma_start3A_64] : memref<10008x128xf32, #tpu.memory_space<vmem_shared>> -> memref<10008x128xf32, #tpu.memory_space<vmem_shared>>
        tpu.enqueue_indirect_dma source(%arg8 : memref<128x128xf32, #tpu.memory_space<vmem>>) target(%dma_start3A_65 : memref<10008x128xf32, #tpu.memory_space<vmem_shared>>) offsets(%dma_start3A_62 : memref<128xi32, #tpu.memory_space<vmem>>) semaphore(%run_scoped3A : memref<!tpu.dma_semaphore, #tpu.memory_space<semaphore_mem>>) {add = true}
        %dma_wait3A_66 = arith.constant 0 : i32
        %dma_wait3A_67 = tpu.memref_slice %arg6[%add3A_44, %dma_wait3A_66] : memref<80x128xi32, #tpu.memory_space<vmem>> -> memref<1x128xi32, #tpu.memory_space<vmem>>
        %dma_wait3A_68 = tpu.memref_squeeze %dma_wait3A_67 : memref<1x128xi32, #tpu.memory_space<vmem>> -> memref<128xi32, #tpu.memory_space<vmem>>
        %dma_wait3A_69 = arith.constant 0 : i32
        %dma_wait3A_70 = arith.constant 0 : i32
        %dma_wait3A_71 = tpu.memref_slice %arg11[%dma_wait3A_69, %dma_wait3A_70] : memref<10008x128xf32, #tpu.memory_space<vmem_shared>> -> memref<10008x128xf32, #tpu.memory_space<vmem_shared>>
        tpu.wait_indirect_dma semaphore(%run_scoped3A : memref<!tpu.dma_semaphore, #tpu.memory_space<semaphore_mem>>) src(%arg8 : memref<128x128xf32, #tpu.memory_space<vmem>>) dst(%dma_wait3A_71 : memref<10008x128xf32, #tpu.memory_space<vmem_shared>>)
        tpu.yield
      }) : () -> ()
    }
    %scan3A_16 = arith.constant 40 : i32
    %barrier3A_17 = arith.constant 0 : index
    tpu.barrier barrier_id(%barrier3A_17)
    %eq3A_18 = arith.constant 0 : i32
    %eq3A_19 = arith.cmpi eq, %arg1, %eq3A_18 : i32
    %convert_element_type3A_20 = arith.extui %eq3A_19 : i1 to i32
    %cond3A_21 = arith.constant 0 : i32
    %cond3A_22 = arith.cmpi ne, %convert_element_type3A_20, %cond3A_21 : i32
    scf.if %cond3A_22 {
      "tpu.region"() ({
        %run_scoped3A = tpu.sem_alloc : memref<!tpu.dma_semaphore, #tpu.memory_space<semaphore_mem>>
        %dma_start3A_23 = arith.constant 0 : i32
        %dma_start3A_24 = arith.constant 0 : i32
        %dma_start3A_25 = tpu.memref_slice %arg5[%arg0, %dma_start3A_23, %dma_start3A_24] : memref<2x10000x128xf32, #tpu.memory_space<hbm>> -> memref<1x10000x128xf32, #tpu.memory_space<hbm>>
        %dma_start3A_26 = tpu.memref_squeeze %dma_start3A_25 : memref<1x10000x128xf32, #tpu.memory_space<hbm>> -> memref<10000x128xf32, #tpu.memory_space<hbm>>
        %dma_start3A_27 = arith.constant 0 : i32
        %dma_start3A_28 = arith.constant 0 : i32
        %dma_start3A_29 = tpu.memref_slice %arg11[%dma_start3A_27, %dma_start3A_28] : memref<10008x128xf32, #tpu.memory_space<vmem_shared>> -> memref<10000x128xf32, #tpu.memory_space<vmem_shared>>
        tpu.enqueue_dma source(%dma_start3A_29 : memref<10000x128xf32, #tpu.memory_space<vmem_shared>>) target(%dma_start3A_26 : memref<10000x128xf32, #tpu.memory_space<hbm>>) target_semaphore(%run_scoped3A : memref<!tpu.dma_semaphore, #tpu.memory_space<semaphore_mem>>)
        %dma_wait3A = arith.constant 0 : i32
        %dma_wait3A_30 = arith.constant 0 : i32
        %dma_wait3A_31 = tpu.memref_slice %arg5[%arg0, %dma_wait3A, %dma_wait3A_30] : memref<2x10000x128xf32, #tpu.memory_space<hbm>> -> memref<1x10000x128xf32, #tpu.memory_space<hbm>>
        %dma_wait3A_32 = tpu.memref_squeeze %dma_wait3A_31 : memref<1x10000x128xf32, #tpu.memory_space<hbm>> -> memref<10000x128xf32, #tpu.memory_space<hbm>>
        %dma_wait3A_33 = arith.constant 0 : i32
        %dma_wait3A_34 = arith.constant 0 : i32
        %dma_wait3A_35 = tpu.memref_slice %arg11[%dma_wait3A_33, %dma_wait3A_34] : memref<10008x128xf32, #tpu.memory_space<vmem_shared>> -> memref<10000x128xf32, #tpu.memory_space<vmem_shared>>
        tpu.wait_dma2 semaphore(%run_scoped3A : memref<!tpu.dma_semaphore, #tpu.memory_space<semaphore_mem>>) src(%dma_wait3A_35 : memref<10000x128xf32, #tpu.memory_space<vmem_shared>>) dst(%dma_wait3A_32 : memref<10000x128xf32, #tpu.memory_space<hbm>>)
        tpu.yield
      }) : () -> ()
    } else {
    }
    return
  }
}

module attributes {stable_mosaic.version = 14 : i64} {
  func.func @_k3_body(%arg0: i32, %arg1: memref<2000x128xf32, #tpu.memory_space<vmem>>, %arg2: memref<2000x128xf32, #tpu.memory_space<vmem>>, %arg3: memref<2000x128xf32, #tpu.memory_space<vmem>>, %arg4: memref<128x128xf32, #tpu.memory_space<vmem>>, %arg5: memref<1x128xf32, #tpu.memory_space<vmem>>, %arg6: memref<128x128xf32, #tpu.memory_space<vmem>>, %arg7: memref<1x128xf32, #tpu.memory_space<vmem>>, %arg8: memref<128x128xf32, #tpu.memory_space<vmem>>, %arg9: memref<1x128xf32, #tpu.memory_space<vmem>>, %arg10: memref<1x128xf32, #tpu.memory_space<vmem>>, %arg11: memref<1x128xf32, #tpu.memory_space<vmem>>, %arg12: memref<2000x128xf32, #tpu.memory_space<vmem>>, %arg13: memref<2000x128xf32, #tpu.memory_space<vmem>>) attributes {dimension_semantics = [#tpu.dimension_semantics<arbitrary>], iteration_bounds = array<i64: 160>, scalar_prefetch = 0 : i64, scratch_operands = 0 : i64, tpu.core_type = #tpu.core_type<tc>, window_params = [{transform_indices = @transform_0, window_bounds = array<i64: 2000, 128>}, {transform_indices = @transform_1, window_bounds = array<i64: 2000, 128>}, {transform_indices = @transform_2, window_bounds = array<i64: 2000, 128>}, {pipeline_mode = #tpu.pipeline_mode<synchronous>, transform_indices = @transform_3, window_bounds = array<i64: 128, 128>}, {pipeline_mode = #tpu.pipeline_mode<synchronous>, transform_indices = @transform_4, window_bounds = array<i64: 1, 128>}, {pipeline_mode = #tpu.pipeline_mode<synchronous>, transform_indices = @transform_5, window_bounds = array<i64: 128, 128>}, {pipeline_mode = #tpu.pipeline_mode<synchronous>, transform_indices = @transform_6, window_bounds = array<i64: 1, 128>}, {pipeline_mode = #tpu.pipeline_mode<synchronous>, transform_indices = @transform_7, window_bounds = array<i64: 128, 128>}, {pipeline_mode = #tpu.pipeline_mode<synchronous>, transform_indices = @transform_8, window_bounds = array<i64: 1, 128>}, {pipeline_mode = #tpu.pipeline_mode<synchronous>, transform_indices = @transform_9, window_bounds = array<i64: 1, 128>}, {pipeline_mode = #tpu.pipeline_mode<synchronous>, transform_indices = @transform_10, window_bounds = array<i64: 1, 128>}, {transform_indices = @transform_11, window_bounds = array<i64: 2000, 128>}, {transform_indices = @transform_12, window_bounds = array<i64: 2000, 128>}]} {
    %get3A = arith.constant 0 : index
    %get3A_0 = arith.constant 0 : index
    %get3A_1 = vector.load %arg3[%get3A, %get3A_0] : memref<2000x128xf32, #tpu.memory_space<vmem>>, vector<2000x128xf32>
    %get3A_2 = arith.constant 0 : index
    %get3A_3 = arith.constant 0 : index
    %get3A_4 = vector.load %arg1[%get3A_2, %get3A_3] : memref<2000x128xf32, #tpu.memory_space<vmem>>, vector<2000x128xf32>
    %get3A_5 = arith.constant 0 : index
    %get3A_6 = arith.constant 0 : index
    %get3A_7 = vector.load %arg2[%get3A_5, %get3A_6] : memref<2000x128xf32, #tpu.memory_space<vmem>>, vector<2000x128xf32>
    %add3A = arith.addf %get3A_4, %get3A_7 : vector<2000x128xf32>
    %get3A_8 = arith.constant 0 : index
    %get3A_9 = arith.constant 0 : index
    %get3A_10 = vector.load %arg4[%get3A_8, %get3A_9] : memref<128x128xf32, #tpu.memory_space<vmem>>, vector<128x128xf32>
    %dot_general3A = arith.constant dense<0.000000e+00> : vector<2000x128xf32>
    %dot_general3A_11 = tpu.matmul %get3A_1, %get3A_10, %dot_general3A {dimension_numbers = #tpu.dot_dimension_numbers<[1], [0], [0], [1], [0, 0, 1, 1], [], []>, transpose_lhs_hint = false} : vector<2000x128xf32>, vector<128x128xf32>, vector<2000x128xf32> -> vector<2000x128xf32>
    %add3A_12 = arith.addf %add3A, %dot_general3A_11 : vector<2000x128xf32>
    %get3A_13 = arith.constant 0 : index
    %get3A_14 = arith.constant 0 : index
    %get3A_15 = vector.load %arg5[%get3A_13, %get3A_14] : memref<1x128xf32, #tpu.memory_space<vmem>>, vector<1x128xf32>
    %add3A_16 = vector.broadcast %get3A_15 : vector<1x128xf32> to vector<2000x128xf32>
    %add3A_17 = arith.addf %add3A_12, %add3A_16 : vector<2000x128xf32>
    %max3A = arith.constant 0.000000e+00 : f32
    %max3A_18 = vector.broadcast %max3A : f32 to vector<2000x128xf32>
    %max3A_19 = arith.maximumf %add3A_17, %max3A_18 : vector<2000x128xf32>
    %get3A_20 = arith.constant 0 : index
    %get3A_21 = arith.constant 0 : index
    %get3A_22 = vector.load %arg6[%get3A_20, %get3A_21] : memref<128x128xf32, #tpu.memory_space<vmem>>, vector<128x128xf32>
    %dot_general3A_23 = arith.constant dense<0.000000e+00> : vector<2000x128xf32>
    %dot_general3A_24 = tpu.matmul %max3A_19, %get3A_22, %dot_general3A_23 {dimension_numbers = #tpu.dot_dimension_numbers<[1], [0], [0], [1], [0, 0, 1, 1], [], []>, transpose_lhs_hint = false} : vector<2000x128xf32>, vector<128x128xf32>, vector<2000x128xf32> -> vector<2000x128xf32>
    %get3A_25 = arith.constant 0 : index
    %get3A_26 = arith.constant 0 : index
    %get3A_27 = vector.load %arg7[%get3A_25, %get3A_26] : memref<1x128xf32, #tpu.memory_space<vmem>>, vector<1x128xf32>
    %add3A_28 = vector.broadcast %get3A_27 : vector<1x128xf32> to vector<2000x128xf32>
    %add3A_29 = arith.addf %dot_general3A_24, %add3A_28 : vector<2000x128xf32>
    %max3A_30 = arith.constant 0.000000e+00 : f32
    %max3A_31 = vector.broadcast %max3A_30 : f32 to vector<2000x128xf32>
    %max3A_32 = arith.maximumf %add3A_29, %max3A_31 : vector<2000x128xf32>
    %get3A_33 = arith.constant 0 : index
    %get3A_34 = arith.constant 0 : index
    %get3A_35 = vector.load %arg8[%get3A_33, %get3A_34] : memref<128x128xf32, #tpu.memory_space<vmem>>, vector<128x128xf32>
    %dot_general3A_36 = arith.constant dense<0.000000e+00> : vector<2000x128xf32>
    %dot_general3A_37 = tpu.matmul %max3A_32, %get3A_35, %dot_general3A_36 {dimension_numbers = #tpu.dot_dimension_numbers<[1], [0], [0], [1], [0, 0, 1, 1], [], []>, transpose_lhs_hint = false} : vector<2000x128xf32>, vector<128x128xf32>, vector<2000x128xf32> -> vector<2000x128xf32>
    %get3A_38 = arith.constant 0 : index
    %get3A_39 = arith.constant 0 : index
    %get3A_40 = vector.load %arg9[%get3A_38, %get3A_39] : memref<1x128xf32, #tpu.memory_space<vmem>>, vector<1x128xf32>
    %add3A_41 = vector.broadcast %get3A_40 : vector<1x128xf32> to vector<2000x128xf32>
    %add3A_42 = arith.addf %dot_general3A_37, %add3A_41 : vector<2000x128xf32>
    %reduce_sum3A = arith.constant dense<0.000000e+00> : vector<2000xf32>
    %reduce_sum3A_43 = vector.multi_reduction <add>, %add3A_42, %reduce_sum3A [1] : vector<2000x128xf32> to vector<2000xf32>
    %broadcast_in_dim3A = vector.shape_cast %reduce_sum3A_43 : vector<2000xf32> to vector<2000x1xf32>
    %div3A = arith.constant 1.280000e+02 : f32
    %div3A_44 = vector.broadcast %div3A : f32 to vector<2000x1xf32>
    %div3A_45 = arith.divf %broadcast_in_dim3A, %div3A_44 : vector<2000x1xf32>
    %sub3A = vector.broadcast %div3A_45 : vector<2000x1xf32> to vector<2000x128xf32>
    %sub3A_46 = arith.subf %add3A_42, %sub3A : vector<2000x128xf32>
    %mul3A = arith.mulf %sub3A_46, %sub3A_46 : vector<2000x128xf32>
    %reduce_sum3A_47 = arith.constant dense<0.000000e+00> : vector<2000xf32>
    %reduce_sum3A_48 = vector.multi_reduction <add>, %mul3A, %reduce_sum3A_47 [1] : vector<2000x128xf32> to vector<2000xf32>
    %broadcast_in_dim3A_49 = vector.shape_cast %reduce_sum3A_48 : vector<2000xf32> to vector<2000x1xf32>
    %div3A_50 = arith.constant 1.280000e+02 : f32
    %div3A_51 = vector.broadcast %div3A_50 : f32 to vector<2000x1xf32>
    %div3A_52 = arith.divf %broadcast_in_dim3A_49, %div3A_51 : vector<2000x1xf32>
    %get3A_53 = arith.constant 0 : index
    %get3A_54 = arith.constant 0 : index
    %get3A_55 = vector.load %arg10[%get3A_53, %get3A_54] : memref<1x128xf32, #tpu.memory_space<vmem>>, vector<1x128xf32>
    %mul3A_56 = vector.broadcast %get3A_55 : vector<1x128xf32> to vector<2000x128xf32>
    %mul3A_57 = arith.mulf %mul3A_56, %sub3A_46 : vector<2000x128xf32>
    %add3A_58 = arith.constant 9.99999974E-6 : f32
    %add3A_59 = vector.broadcast %add3A_58 : f32 to vector<2000x1xf32>
    %add3A_60 = arith.addf %div3A_52, %add3A_59 : vector<2000x1xf32>
    %rsqrt3A = math.rsqrt %add3A_60 : vector<2000x1xf32>
    %mul3A_61 = vector.broadcast %rsqrt3A : vector<2000x1xf32> to vector<2000x128xf32>
    %mul3A_62 = arith.mulf %mul3A_57, %mul3A_61 : vector<2000x128xf32>
    %get3A_63 = arith.constant 0 : index
    %get3A_64 = arith.constant 0 : index
    %get3A_65 = vector.load %arg11[%get3A_63, %get3A_64] : memref<1x128xf32, #tpu.memory_space<vmem>>, vector<1x128xf32>
    %add3A_66 = vector.broadcast %get3A_65 : vector<1x128xf32> to vector<2000x128xf32>
    %add3A_67 = arith.addf %mul3A_62, %add3A_66 : vector<2000x128xf32>
    %swap3A = arith.constant 0 : index
    %swap3A_68 = arith.constant 0 : index
    %swap3A_69 = vector.load %arg12[%swap3A, %swap3A_68] : memref<2000x128xf32, #tpu.memory_space<vmem>>, vector<2000x128xf32>
    tpu.vector_store %arg12[%swap3A, %swap3A_68], %add3A_67 {strides = array<i32>} : memref<2000x128xf32, #tpu.memory_space<vmem>>, vector<2000x128xf32>,
    %add3A_70 = arith.addf %add3A_67, %get3A_1 : vector<2000x128xf32>
    %swap3A_71 = arith.constant 0 : index
    %swap3A_72 = arith.constant 0 : index
    %swap3A_73 = vector.load %arg13[%swap3A_71, %swap3A_72] : memref<2000x128xf32, #tpu.memory_space<vmem>>, vector<2000x128xf32>
    tpu.vector_store %arg13[%swap3A_71, %swap3A_72], %add3A_70 {strides = array<i32>} : memref<2000x128xf32, #tpu.memory_space<vmem>>, vector<2000x128xf32>,
    return
  }
  func.func @transform_0(%arg0: i32) -> (i32, i32) {
    %c0_i32 = arith.constant 0 : i32
    %c0_i32_0 = arith.constant 0 : i32
    return %arg0, %c0_i32 : i32, i32
  }
  func.func @transform_1(%arg0: i32) -> (i32, i32) {
    %c0_i32 = arith.constant 0 : i32
    %c0_i32_0 = arith.constant 0 : i32
    return %arg0, %c0_i32 : i32, i32
  }
  func.func @transform_2(%arg0: i32) -> (i32, i32) {
    %c0_i32 = arith.constant 0 : i32
    %c0_i32_0 = arith.constant 0 : i32
    return %arg0, %c0_i32 : i32, i32
  }
  func.func @transform_3(%arg0: i32) -> (i32, i32) {
    %c0_i32 = arith.constant 0 : i32
    %c0_i32_0 = arith.constant 0 : i32
    %c0_i32_1 = arith.constant 0 : i32
    return %c0_i32, %c0_i32_0 : i32, i32
  }
  func.func @transform_4(%arg0: i32) -> (i32, i32) {
    %c0_i32 = arith.constant 0 : i32
    %c0_i32_0 = arith.constant 0 : i32
    %c0_i32_1 = arith.constant 0 : i32
    return %c0_i32, %c0_i32_0 : i32, i32
  }
  func.func @transform_5(%arg0: i32) -> (i32, i32) {
    %c0_i32 = arith.constant 0 : i32
    %c0_i32_0 = arith.constant 0 : i32
    %c0_i32_1 = arith.constant 0 : i32
    return %c0_i32, %c0_i32_0 : i32, i32
  }
  func.func @transform_6(%arg0: i32) -> (i32, i32) {
    %c0_i32 = arith.constant 0 : i32
    %c0_i32_0 = arith.constant 0 : i32
    %c0_i32_1 = arith.constant 0 : i32
    return %c0_i32, %c0_i32_0 : i32, i32
  }
  func.func @transform_7(%arg0: i32) -> (i32, i32) {
    %c0_i32 = arith.constant 0 : i32
    %c0_i32_0 = arith.constant 0 : i32
    %c0_i32_1 = arith.constant 0 : i32
    return %c0_i32, %c0_i32_0 : i32, i32
  }
  func.func @transform_8(%arg0: i32) -> (i32, i32) {
    %c0_i32 = arith.constant 0 : i32
    %c0_i32_0 = arith.constant 0 : i32
    %c0_i32_1 = arith.constant 0 : i32
    return %c0_i32, %c0_i32_0 : i32, i32
  }
  func.func @transform_9(%arg0: i32) -> (i32, i32) {
    %c0_i32 = arith.constant 0 : i32
    %c0_i32_0 = arith.constant 0 : i32
    %c0_i32_1 = arith.constant 0 : i32
    return %c0_i32, %c0_i32_0 : i32, i32
  }
  func.func @transform_10(%arg0: i32) -> (i32, i32) {
    %c0_i32 = arith.constant 0 : i32
    %c0_i32_0 = arith.constant 0 : i32
    %c0_i32_1 = arith.constant 0 : i32
    return %c0_i32, %c0_i32_0 : i32, i32
  }
  func.func @transform_11(%arg0: i32) -> (i32, i32) {
    %c0_i32 = arith.constant 0 : i32
    %c0_i32_0 = arith.constant 0 : i32
    return %arg0, %c0_i32 : i32, i32
  }
  func.func @transform_12(%arg0: i32) -> (i32, i32) {
    %c0_i32 = arith.constant 0 : i32
    %c0_i32_0 = arith.constant 0 : i32
    return %arg0, %c0_i32 : i32, i32
  }
}

module attributes {stable_mosaic.version = 14 : i64} {
  func.func @_k1_body(%arg0: i32, %arg1: memref<1000x128xf32, #tpu.memory_space<vmem>>, %arg2: memref<128x128xf32, #tpu.memory_space<vmem>>, %arg3: memref<128x128xf32, #tpu.memory_space<vmem>>, %arg4: memref<1000x128xf32, #tpu.memory_space<vmem>>, %arg5: memref<1000x128xf32, #tpu.memory_space<vmem>>) attributes {dimension_semantics = [#tpu.dimension_semantics<arbitrary>], iteration_bounds = array<i64: 10>, scalar_prefetch = 0 : i64, scratch_operands = 0 : i64, tpu.core_type = #tpu.core_type<tc>, window_params = [{transform_indices = @transform_0, window_bounds = array<i64: 1000, 128>}, {pipeline_mode = #tpu.pipeline_mode<synchronous>, transform_indices = @transform_1, window_bounds = array<i64: 128, 128>}, {pipeline_mode = #tpu.pipeline_mode<synchronous>, transform_indices = @transform_2, window_bounds = array<i64: 128, 128>}, {transform_indices = @transform_3, window_bounds = array<i64: 1000, 128>}, {transform_indices = @transform_4, window_bounds = array<i64: 1000, 128>}]} {
    %get3A = arith.constant 0 : index
    %get3A_0 = arith.constant 0 : index
    %get3A_1 = vector.load %arg1[%get3A, %get3A_0] : memref<1000x128xf32, #tpu.memory_space<vmem>>, vector<1000x128xf32>
    %get3A_2 = arith.constant 0 : index
    %get3A_3 = arith.constant 0 : index
    %get3A_4 = vector.load %arg2[%get3A_2, %get3A_3] : memref<128x128xf32, #tpu.memory_space<vmem>>, vector<128x128xf32>
    %dot_general3A = arith.constant dense<0.000000e+00> : vector<1000x128xf32>
    %dot_general3A_5 = tpu.matmul %get3A_1, %get3A_4, %dot_general3A {dimension_numbers = #tpu.dot_dimension_numbers<[1], [0], [0], [1], [0, 0, 1, 1], [], []>, transpose_lhs_hint = false} : vector<1000x128xf32>, vector<128x128xf32>, vector<1000x128xf32> -> vector<1000x128xf32>
    %swap3A = arith.constant 0 : index
    %swap3A_6 = arith.constant 0 : index
    %swap3A_7 = vector.load %arg4[%swap3A, %swap3A_6] : memref<1000x128xf32, #tpu.memory_space<vmem>>, vector<1000x128xf32>
    tpu.vector_store %arg4[%swap3A, %swap3A_6], %dot_general3A_5 {strides = array<i32>} : memref<1000x128xf32, #tpu.memory_space<vmem>>, vector<1000x128xf32>,
    %get3A_8 = arith.constant 0 : index
    %get3A_9 = arith.constant 0 : index
    %get3A_10 = vector.load %arg3[%get3A_8, %get3A_9] : memref<128x128xf32, #tpu.memory_space<vmem>>, vector<128x128xf32>
    %dot_general3A_11 = arith.constant dense<0.000000e+00> : vector<1000x128xf32>
    %dot_general3A_12 = tpu.matmul %get3A_1, %get3A_10, %dot_general3A_11 {dimension_numbers = #tpu.dot_dimension_numbers<[1], [0], [0], [1], [0, 0, 1, 1], [], []>, transpose_lhs_hint = false} : vector<1000x128xf32>, vector<128x128xf32>, vector<1000x128xf32> -> vector<1000x128xf32>
    %swap3A_13 = arith.constant 0 : index
    %swap3A_14 = arith.constant 0 : index
    %swap3A_15 = vector.load %arg5[%swap3A_13, %swap3A_14] : memref<1000x128xf32, #tpu.memory_space<vmem>>, vector<1000x128xf32>
    tpu.vector_store %arg5[%swap3A_13, %swap3A_14], %dot_general3A_12 {strides = array<i32>} : memref<1000x128xf32, #tpu.memory_space<vmem>>, vector<1000x128xf32>,
    return
  }
  func.func @transform_0(%arg0: i32) -> (i32, i32) {
    %c0_i32 = arith.constant 0 : i32
    %c0_i32_0 = arith.constant 0 : i32
    return %arg0, %c0_i32 : i32, i32
  }
  func.func @transform_1(%arg0: i32) -> (i32, i32) {
    %c0_i32 = arith.constant 0 : i32
    %c0_i32_0 = arith.constant 0 : i32
    %c0_i32_1 = arith.constant 0 : i32
    return %c0_i32, %c0_i32_0 : i32, i32
  }
  func.func @transform_2(%arg0: i32) -> (i32, i32) {
    %c0_i32 = arith.constant 0 : i32
    %c0_i32_0 = arith.constant 0 : i32
    %c0_i32_1 = arith.constant 0 : i32
    return %c0_i32, %c0_i32_0 : i32, i32
  }
  func.func @transform_3(%arg0: i32) -> (i32, i32) {
    %c0_i32 = arith.constant 0 : i32
    %c0_i32_0 = arith.constant 0 : i32
    return %arg0, %c0_i32 : i32, i32
  }
  func.func @transform_4(%arg0: i32) -> (i32, i32) {
    %c0_i32 = arith.constant 0 : i32
    %c0_i32_0 = arith.constant 0 : i32
    return %arg0, %c0_i32 : i32, i32
  }
}

module attributes {stable_mosaic.version = 14 : i64} {
  func.func @_k5_body(%arg0: i32, %arg1: memref<1000x128xf32, #tpu.memory_space<vmem>>, %arg2: memref<1x1000x128xf32, #tpu.memory_space<vmem>>, %arg3: memref<1x1000x128xf32, #tpu.memory_space<vmem>>, %arg4: memref<128x128xf32, #tpu.memory_space<vmem>>, %arg5: memref<128x128xf32, #tpu.memory_space<vmem>>, %arg6: memref<1x128xf32, #tpu.memory_space<vmem>>, %arg7: memref<128x128xf32, #tpu.memory_space<vmem>>, %arg8: memref<1x128xf32, #tpu.memory_space<vmem>>, %arg9: memref<128x128xf32, #tpu.memory_space<vmem>>, %arg10: memref<1x128xf32, #tpu.memory_space<vmem>>, %arg11: memref<1x128xf32, #tpu.memory_space<vmem>>, %arg12: memref<1x128xf32, #tpu.memory_space<vmem>>, %arg13: memref<1000x128xf32, #tpu.memory_space<vmem>>) attributes {dimension_semantics = [#tpu.dimension_semantics<arbitrary>], iteration_bounds = array<i64: 10>, scalar_prefetch = 0 : i64, scratch_operands = 0 : i64, tpu.core_type = #tpu.core_type<tc>, window_params = [{transform_indices = @transform_0, window_bounds = array<i64: 1000, 128>}, {transform_indices = @transform_1, window_bounds = array<i64: 1, 1000, 128>}, {transform_indices = @transform_2, window_bounds = array<i64: 1, 1000, 128>}, {pipeline_mode = #tpu.pipeline_mode<synchronous>, transform_indices = @transform_3, window_bounds = array<i64: 128, 128>}, {pipeline_mode = #tpu.pipeline_mode<synchronous>, transform_indices = @transform_4, window_bounds = array<i64: 128, 128>}, {pipeline_mode = #tpu.pipeline_mode<synchronous>, transform_indices = @transform_5, window_bounds = array<i64: 1, 128>}, {pipeline_mode = #tpu.pipeline_mode<synchronous>, transform_indices = @transform_6, window_bounds = array<i64: 128, 128>}, {pipeline_mode = #tpu.pipeline_mode<synchronous>, transform_indices = @transform_7, window_bounds = array<i64: 1, 128>}, {pipeline_mode = #tpu.pipeline_mode<synchronous>, transform_indices = @transform_8, window_bounds = array<i64: 128, 128>}, {pipeline_mode = #tpu.pipeline_mode<synchronous>, transform_indices = @transform_9, window_bounds = array<i64: 1, 128>}, {pipeline_mode = #tpu.pipeline_mode<synchronous>, transform_indices = @transform_10, window_bounds = array<i64: 1, 128>}, {pipeline_mode = #tpu.pipeline_mode<synchronous>, transform_indices = @transform_11, window_bounds = array<i64: 1, 128>}, {transform_indices = @transform_12, window_bounds = array<i64: 1000, 128>}]} {
    %get3A = arith.constant 0 : index
    %get3A_0 = arith.constant 0 : index
    %get3A_1 = vector.load %arg1[%get3A, %get3A_0] : memref<1000x128xf32, #tpu.memory_space<vmem>>, vector<1000x128xf32>
    %get3A_2 = arith.constant 0 : index
    %get3A_3 = arith.constant 0 : index
    %get3A_4 = arith.constant 0 : index
    %get3A_5 = vector.load %arg2[%get3A_2, %get3A_3, %get3A_4] : memref<1x1000x128xf32, #tpu.memory_space<vmem>>, vector<1x1000x128xf32>
    %get3A_6 = vector.shape_cast %get3A_5 : vector<1x1000x128xf32> to vector<1000x128xf32>
    %get3A_7 = arith.constant 0 : index
    %get3A_8 = arith.constant 0 : index
    %get3A_9 = arith.constant 0 : index
    %get3A_10 = vector.load %arg3[%get3A_7, %get3A_8, %get3A_9] : memref<1x1000x128xf32, #tpu.memory_space<vmem>>, vector<1x1000x128xf32>
    %get3A_11 = vector.shape_cast %get3A_10 : vector<1x1000x128xf32> to vector<1000x128xf32>
    %add3A = arith.addf %get3A_6, %get3A_11 : vector<1000x128xf32>
    %get3A_12 = arith.constant 0 : index
    %get3A_13 = arith.constant 0 : index
    %get3A_14 = vector.load %arg4[%get3A_12, %get3A_13] : memref<128x128xf32, #tpu.memory_space<vmem>>, vector<128x128xf32>
    %dot_general3A = arith.constant dense<0.000000e+00> : vector<1000x128xf32>
    %dot_general3A_15 = tpu.matmul %get3A_1, %get3A_14, %dot_general3A {dimension_numbers = #tpu.dot_dimension_numbers<[1], [0], [0], [1], [0, 0, 1, 1], [], []>, transpose_lhs_hint = false} : vector<1000x128xf32>, vector<128x128xf32>, vector<1000x128xf32> -> vector<1000x128xf32>
    %get3A_16 = arith.constant 0 : index
    %get3A_17 = arith.constant 0 : index
    %get3A_18 = vector.load %arg5[%get3A_16, %get3A_17] : memref<128x128xf32, #tpu.memory_space<vmem>>, vector<128x128xf32>
    %dot_general3A_19 = arith.constant dense<0.000000e+00> : vector<1000x128xf32>
    %dot_general3A_20 = tpu.matmul %add3A, %get3A_18, %dot_general3A_19 {dimension_numbers = #tpu.dot_dimension_numbers<[1], [0], [0], [1], [0, 0, 1, 1], [], []>, transpose_lhs_hint = false} : vector<1000x128xf32>, vector<128x128xf32>, vector<1000x128xf32> -> vector<1000x128xf32>
    %add3A_21 = arith.addf %dot_general3A_15, %dot_general3A_20 : vector<1000x128xf32>
    %get3A_22 = arith.constant 0 : index
    %get3A_23 = arith.constant 0 : index
    %get3A_24 = vector.load %arg6[%get3A_22, %get3A_23] : memref<1x128xf32, #tpu.memory_space<vmem>>, vector<1x128xf32>
    %add3A_25 = vector.broadcast %get3A_24 : vector<1x128xf32> to vector<1000x128xf32>
    %add3A_26 = arith.addf %add3A_21, %add3A_25 : vector<1000x128xf32>
    %max3A = arith.constant 0.000000e+00 : f32
    %max3A_27 = vector.broadcast %max3A : f32 to vector<1000x128xf32>
    %max3A_28 = arith.maximumf %add3A_26, %max3A_27 : vector<1000x128xf32>
    %get3A_29 = arith.constant 0 : index
    %get3A_30 = arith.constant 0 : index
    %get3A_31 = vector.load %arg7[%get3A_29, %get3A_30] : memref<128x128xf32, #tpu.memory_space<vmem>>, vector<128x128xf32>
    %dot_general3A_32 = arith.constant dense<0.000000e+00> : vector<1000x128xf32>
    %dot_general3A_33 = tpu.matmul %max3A_28, %get3A_31, %dot_general3A_32 {dimension_numbers = #tpu.dot_dimension_numbers<[1], [0], [0], [1], [0, 0, 1, 1], [], []>, transpose_lhs_hint = false} : vector<1000x128xf32>, vector<128x128xf32>, vector<1000x128xf32> -> vector<1000x128xf32>
    %get3A_34 = arith.constant 0 : index
    %get3A_35 = arith.constant 0 : index
    %get3A_36 = vector.load %arg8[%get3A_34, %get3A_35] : memref<1x128xf32, #tpu.memory_space<vmem>>, vector<1x128xf32>
    %add3A_37 = vector.broadcast %get3A_36 : vector<1x128xf32> to vector<1000x128xf32>
    %add3A_38 = arith.addf %dot_general3A_33, %add3A_37 : vector<1000x128xf32>
    %max3A_39 = arith.constant 0.000000e+00 : f32
    %max3A_40 = vector.broadcast %max3A_39 : f32 to vector<1000x128xf32>
    %max3A_41 = arith.maximumf %add3A_38, %max3A_40 : vector<1000x128xf32>
    %get3A_42 = arith.constant 0 : index
    %get3A_43 = arith.constant 0 : index
    %get3A_44 = vector.load %arg9[%get3A_42, %get3A_43] : memref<128x128xf32, #tpu.memory_space<vmem>>, vector<128x128xf32>
    %dot_general3A_45 = arith.constant dense<0.000000e+00> : vector<1000x128xf32>
    %dot_general3A_46 = tpu.matmul %max3A_41, %get3A_44, %dot_general3A_45 {dimension_numbers = #tpu.dot_dimension_numbers<[1], [0], [0], [1], [0, 0, 1, 1], [], []>, transpose_lhs_hint = false} : vector<1000x128xf32>, vector<128x128xf32>, vector<1000x128xf32> -> vector<1000x128xf32>
    %get3A_47 = arith.constant 0 : index
    %get3A_48 = arith.constant 0 : index
    %get3A_49 = vector.load %arg10[%get3A_47, %get3A_48] : memref<1x128xf32, #tpu.memory_space<vmem>>, vector<1x128xf32>
    %add3A_50 = vector.broadcast %get3A_49 : vector<1x128xf32> to vector<1000x128xf32>
    %add3A_51 = arith.addf %dot_general3A_46, %add3A_50 : vector<1000x128xf32>
    %reduce_sum3A = arith.constant dense<0.000000e+00> : vector<1000xf32>
    %reduce_sum3A_52 = vector.multi_reduction <add>, %add3A_51, %reduce_sum3A [1] : vector<1000x128xf32> to vector<1000xf32>
    %broadcast_in_dim3A = vector.shape_cast %reduce_sum3A_52 : vector<1000xf32> to vector<1000x1xf32>
    %div3A = arith.constant 1.280000e+02 : f32
    %div3A_53 = vector.broadcast %div3A : f32 to vector<1000x1xf32>
    %div3A_54 = arith.divf %broadcast_in_dim3A, %div3A_53 : vector<1000x1xf32>
    %sub3A = vector.broadcast %div3A_54 : vector<1000x1xf32> to vector<1000x128xf32>
    %sub3A_55 = arith.subf %add3A_51, %sub3A : vector<1000x128xf32>
    %mul3A = arith.mulf %sub3A_55, %sub3A_55 : vector<1000x128xf32>
    %reduce_sum3A_56 = arith.constant dense<0.000000e+00> : vector<1000xf32>
    %reduce_sum3A_57 = vector.multi_reduction <add>, %mul3A, %reduce_sum3A_56 [1] : vector<1000x128xf32> to vector<1000xf32>
    %broadcast_in_dim3A_58 = vector.shape_cast %reduce_sum3A_57 : vector<1000xf32> to vector<1000x1xf32>
    %div3A_59 = arith.constant 1.280000e+02 : f32
    %div3A_60 = vector.broadcast %div3A_59 : f32 to vector<1000x1xf32>
    %div3A_61 = arith.divf %broadcast_in_dim3A_58, %div3A_60 : vector<1000x1xf32>
    %get3A_62 = arith.constant 0 : index
    %get3A_63 = arith.constant 0 : index
    %get3A_64 = vector.load %arg11[%get3A_62, %get3A_63] : memref<1x128xf32, #tpu.memory_space<vmem>>, vector<1x128xf32>
    %mul3A_65 = vector.broadcast %get3A_64 : vector<1x128xf32> to vector<1000x128xf32>
    %mul3A_66 = arith.mulf %mul3A_65, %sub3A_55 : vector<1000x128xf32>
    %add3A_67 = arith.constant 9.99999974E-6 : f32
    %add3A_68 = vector.broadcast %add3A_67 : f32 to vector<1000x1xf32>
    %add3A_69 = arith.addf %div3A_61, %add3A_68 : vector<1000x1xf32>
    %rsqrt3A = math.rsqrt %add3A_69 : vector<1000x1xf32>
    %mul3A_70 = vector.broadcast %rsqrt3A : vector<1000x1xf32> to vector<1000x128xf32>
    %mul3A_71 = arith.mulf %mul3A_66, %mul3A_70 : vector<1000x128xf32>
    %get3A_72 = arith.constant 0 : index
    %get3A_73 = arith.constant 0 : index
    %get3A_74 = vector.load %arg12[%get3A_72, %get3A_73] : memref<1x128xf32, #tpu.memory_space<vmem>>, vector<1x128xf32>
    %add3A_75 = vector.broadcast %get3A_74 : vector<1x128xf32> to vector<1000x128xf32>
    %add3A_76 = arith.addf %mul3A_71, %add3A_75 : vector<1000x128xf32>
    %add3A_77 = arith.addf %add3A_76, %get3A_1 : vector<1000x128xf32>
    %swap3A = arith.constant 0 : index
    %swap3A_78 = arith.constant 0 : index
    %swap3A_79 = vector.load %arg13[%swap3A, %swap3A_78] : memref<1000x128xf32, #tpu.memory_space<vmem>>, vector<1000x128xf32>
    tpu.vector_store %arg13[%swap3A, %swap3A_78], %add3A_77 {strides = array<i32>} : memref<1000x128xf32, #tpu.memory_space<vmem>>, vector<1000x128xf32>,
    return
  }
  func.func @transform_0(%arg0: i32) -> (i32, i32) {
    %c0_i32 = arith.constant 0 : i32
    %c0_i32_0 = arith.constant 0 : i32
    return %arg0, %c0_i32 : i32, i32
  }
  func.func @transform_1(%arg0: i32) -> (i32, i32, i32) {
    %c0_i32 = arith.constant 0 : i32
    %c0_i32_0 = arith.constant 0 : i32
    %c0_i32_1 = arith.constant 0 : i32
    return %c0_i32, %arg0, %c0_i32_0 : i32, i32, i32
  }
  func.func @transform_2(%arg0: i32) -> (i32, i32, i32) {
    %c1_i32 = arith.constant 1 : i32
    %c0_i32 = arith.constant 0 : i32
    %c0_i32_0 = arith.constant 0 : i32
    return %c1_i32, %arg0, %c0_i32 : i32, i32, i32
  }
  func.func @transform_3(%arg0: i32) -> (i32, i32) {
    %c0_i32 = arith.constant 0 : i32
    %c0_i32_0 = arith.constant 0 : i32
    %c0_i32_1 = arith.constant 0 : i32
    return %c0_i32, %c0_i32_0 : i32, i32
  }
  func.func @transform_4(%arg0: i32) -> (i32, i32) {
    %c0_i32 = arith.constant 0 : i32
    %c0_i32_0 = arith.constant 0 : i32
    %c0_i32_1 = arith.constant 0 : i32
    return %c0_i32, %c0_i32_0 : i32, i32
  }
  func.func @transform_5(%arg0: i32) -> (i32, i32) {
    %c0_i32 = arith.constant 0 : i32
    %c0_i32_0 = arith.constant 0 : i32
    %c0_i32_1 = arith.constant 0 : i32
    return %c0_i32, %c0_i32_0 : i32, i32
  }
  func.func @transform_6(%arg0: i32) -> (i32, i32) {
    %c0_i32 = arith.constant 0 : i32
    %c0_i32_0 = arith.constant 0 : i32
    %c0_i32_1 = arith.constant 0 : i32
    return %c0_i32, %c0_i32_0 : i32, i32
  }
  func.func @transform_7(%arg0: i32) -> (i32, i32) {
    %c0_i32 = arith.constant 0 : i32
    %c0_i32_0 = arith.constant 0 : i32
    %c0_i32_1 = arith.constant 0 : i32
    return %c0_i32, %c0_i32_0 : i32, i32
  }
  func.func @transform_8(%arg0: i32) -> (i32, i32) {
    %c0_i32 = arith.constant 0 : i32
    %c0_i32_0 = arith.constant 0 : i32
    %c0_i32_1 = arith.constant 0 : i32
    return %c0_i32, %c0_i32_0 : i32, i32
  }
  func.func @transform_9(%arg0: i32) -> (i32, i32) {
    %c0_i32 = arith.constant 0 : i32
    %c0_i32_0 = arith.constant 0 : i32
    %c0_i32_1 = arith.constant 0 : i32
    return %c0_i32, %c0_i32_0 : i32, i32
  }
  func.func @transform_10(%arg0: i32) -> (i32, i32) {
    %c0_i32 = arith.constant 0 : i32
    %c0_i32_0 = arith.constant 0 : i32
    %c0_i32_1 = arith.constant 0 : i32
    return %c0_i32, %c0_i32_0 : i32, i32
  }
  func.func @transform_11(%arg0: i32) -> (i32, i32) {
    %c0_i32 = arith.constant 0 : i32
    %c0_i32_0 = arith.constant 0 : i32
    %c0_i32_1 = arith.constant 0 : i32
    return %c0_i32, %c0_i32_0 : i32, i32
  }
  func.func @transform_12(%arg0: i32) -> (i32, i32) {
    %c0_i32 = arith.constant 0 : i32
    %c0_i32_0 = arith.constant 0 : i32
    return %arg0, %c0_i32 : i32, i32
  }
}

</mosaic_0001>

<sc_bundles>
// kernel: kernel.10.cloned.1.call-start
scs
__scs_entry_jumppad:
0x0: {  	(pc) =	sbr.rel $0x88, $3  }
0x1: {  	(tag) =	ssettag $0x0;
	lr =	simm.s32 $0x1  }
0x2: {  	[smem:$0x3F8E] =	sst lr;
	_ =	strace $0xD0000000  }
0x3: {  	_ = 	snop  }
0x4: {  	_ = 	snop  }
0x5: {  	_ = 	snop  }
0x6: {  	_ = 	snop  }
0x7: {  	_ = 	snop  }
__scs_overlays_trampoline_lowered:
0x8: {  	[smem:$0x3F9D] =	sst s0  }
0x9: {  	[smem:$0x3F9E] =	sst s1  }
0xa: {  	[smem:$0x3F9F] =	sst s2  }
0xb: {  	[smem:$0x3FA0] =	sst s3  }
0xc: {  	[smem:$0x3FA1] =	sst s4  }
0xd: {  	[smem:$0x3FA2] =	sst s5  }
0xe: {  	[smem:$0x3FA3] =	sst s6  }
0xf: {  	[smem:$0x3FA4] =	sst s7  }
0x10: {  	[smem:$0x3FA5] =	sst s8  }
0x11: {  	[smem:$0x3FA6] =	sst s9;
	s0 =	simm.s32 @!p0 $0x0  }
0x12: {  	s1 =	sld [smem:$0x3F8C];
	s0 =	simm.s32 @p0 $0x1  }
0x13: {  	[smem:$0x3FA7] =	sst s0;
	s0 =	simm.s32 @!p1 $0x0  }
0x14: {  	s2 =	sld [smem:$0x3F8B];
	s0 =	simm.s32 @p1 $0x1  }
0x15: {  	[smem:$0x3FA8] =	sst s0;
	s0 =	simm.s32 @!p2 $0x0  }
0x16: {  	s3 =	sld [smem:$0x3FDB];
	s0 =	simm.s32 @p2 $0x1  }
0x17: {  	s4 =	simm.s32 $0x1BF5;
	[smem:$0x3FAA] =	sst s0  }
0x18: {  	s0 =	sld [smem:$0x3F8D];
	_ =	swait.ge [sflag:s4], $0x0  }
0x19: {  	s7 =	sld [smem:$0x3F8E]  }
0x1a: {  	s8 =	sadd.s32 $0xFFFFE003, lr  }
0x1b: {  	s9 =	sadd.s32 $0xFFFFFEF7, lr;
	s5 =	simm.s32 $0xFFFFFFFF;
	p2 =	slt.u32 s8, $0xFFFFF086  }
0x1c: {  	p1 =	slt.u32 s9, $0xF7A;
	s5 =	simm.s32 @!p2 $0x0  }
0x1d: {  	s5 =	simm.s32 @p1 $0x1;
	p0 =	seq.s32 s7, s2  }
0x1e: {  	s7 =	smul.u32 @!p0 $0xF7A, s2;
	p2 =	seq.s32 @!p0 s5, $0x0  }
0x1f: {  	s9 =	smul.u32 $0xF7A, s1;
	s8 =	simm.s32 @!p0 $0x1BF5;
	p2 =	por !p2, p0  }
0x20: {  	[sflag:s8] =	ssyncset.s32 @!p0 $0xFFFFF086;
	s6 =	sadd.s32 @!p0 s3, s7;
	s7 =	simm.s32 @!p0 $0x108  }
0x21: {  	s3 =	sadd.s32 s3, s9;
	s6 =	sadd.s32 @!p0 $0x88, s6;
	s7 =	simm.s32 @p2 $0x1082  }
0x22: {  	[simem:s7], [sflag:s8] =	dma.local @!p0 [hbm:s6], $0xF7A  }
0x23: {  	s9 =	sor.u32 $0xD0000000, s2;
	s6 =	simm.s32 $0x108;
	_ =	swait.ge @!p0 [sflag:s8], $0x0  }
0x24: {  	s3 =	sadd.s32 $0x88, s3;
	s6 =	simm.s32 @!p1 $0x1082;
	[sflag:s4] =	ssyncset.s32 $0xFFFFF086  }
0x25: {  	[simem:s6], [sflag:s4] =	dma.local [hbm:s3], $0xF7A  }
0x26: {  	[smem:$0x3F8E] =	sst s1;
	(tag) =	ssettag s2;
	_ =	strace s9  }
0x27: {  	s1 =	sld [smem:$0x3F9E]  }
0x28: {  	s2 =	sld [smem:$0x3F9F]  }
0x29: {  	s4 =	sld [smem:$0x3FA1]  }
0x2a: {  	p0 =	seq.s32 s5, $0x0;
	s5 =	sld [smem:$0x3FA2]  }
0x2b: {  	s6 =	sld [smem:$0x3FA3]  }
0x2c: {  	s7 =	sld [smem:$0x3FA4]  }
0x2d: {  	s3 =	simm.s32 $0x108;
	s8 =	sld [smem:$0x3FA5]  }
0x2e: {  	s3 =	simm.s32 @!p0 $0x1082;
	s9 =	sld [smem:$0x3FA6]  }
0x2f: {  	lr =	sadd.s32 s0, s3;
	s0 =	sld [smem:$0x3F9D]  }
0x30: {  	s3 =	sld [smem:$0x3FA0]  }
0x31: {  	[smem:$0x3FA9] =	sst s10  }
0x32: {  	s10 =	sld [smem:$0x3FA7];
	_ =	sdelay $0x3  }
0x33: {  	p0 =	seq.s32 s10, $0x1;
	s10 =	sld [smem:$0x3FA9];
	_ =	sdelay $0x3  }
0x34: {  	[smem:$0x3FA9] =	sst s10  }
0x35: {  	s10 =	sld [smem:$0x3FA8];
	_ =	sdelay $0x3  }
0x36: {  	p1 =	seq.s32 s10, $0x1;
	s10 =	sld [smem:$0x3FA9];
	_ =	sdelay $0x3  }
0x37: {  	[smem:$0x3FA9] =	sst s10  }
0x38: {  	s10 =	sld [smem:$0x3FAA]  }
0x39: {  	_ = 	snop;
	(pc) =	sbr.ind lr, $3  }
0x3a: {  	_ = 	snop  }
0x3b: {  	_ = 	snop  }
0x3c: {  	p2 =	seq.s32 s10, $0x1;
	s10 =	sld [smem:$0x3FA9]  }
0x3d: {  	_ =	shalt  }
0x3e: {  	_ =	shalt  }
0x3f: {  	_ =	shalt  }
0x40: {  	_ =	shalt  }
0x41: {  	_ =	shalt  }
0x42: {  	_ =	shalt  }
0x43: {  	_ =	shalt  }
0x44: {  	_ =	shalt  }
0x45: {  	_ =	shalt  }
0x46: {  	_ =	shalt  }
0x47: {  	_ =	shalt  }
0x48: {  	_ =	shalt  }
0x49: {  	_ =	shalt  }
0x4a: {  	_ =	shalt  }
0x4b: {  	_ =	shalt  }
0x4c: {  	_ =	shalt  }
0x4d: {  	_ =	shalt  }
0x4e: {  	_ =	shalt  }
0x4f: {  	_ =	shalt  }
0x50: {  	_ =	shalt  }
0x51: {  	_ =	shalt  }
0x52: {  	_ =	shalt  }
0x53: {  	_ =	shalt  }
0x54: {  	_ =	shalt  }
0x55: {  	_ =	shalt  }
0x56: {  	_ =	shalt  }
0x57: {  	_ =	shalt  }
0x58: {  	_ =	shalt  }
0x59: {  	_ =	shalt  }
0x5a: {  	_ =	shalt  }
0x5b: {  	_ =	shalt  }
0x5c: {  	_ =	shalt  }
0x5d: {  	_ =	shalt  }
0x5e: {  	_ =	shalt  }
0x5f: {  	_ =	shalt  }
0x60: {  	_ =	shalt  }
0x61: {  	_ =	shalt  }
0x62: {  	_ =	shalt  }
0x63: {  	_ =	shalt  }
0x64: {  	_ =	shalt  }
0x65: {  	_ =	shalt  }
0x66: {  	_ =	shalt  }
0x67: {  	_ =	shalt  }
0x68: {  	_ =	shalt  }
0x69: {  	_ =	shalt  }
0x6a: {  	_ =	shalt  }
0x6b: {  	_ =	shalt  }
0x6c: {  	_ =	shalt  }
0x6d: {  	_ =	shalt  }
0x6e: {  	_ =	shalt  }
0x6f: {  	_ =	shalt  }
0x70: {  	_ =	shalt  }
0x71: {  	_ =	shalt  }
0x72: {  	_ =	shalt  }
0x73: {  	_ =	shalt  }
0x74: {  	_ =	shalt  }
0x75: {  	_ =	shalt  }
0x76: {  	_ =	shalt  }
0x77: {  	_ =	shalt  }
0x78: {  	_ =	shalt  }
0x79: {  	_ =	shalt  }
0x7a: {  	_ =	shalt  }
0x7b: {  	_ =	shalt  }
0x7c: {  	_ =	shalt  }
0x7d: {  	_ =	shalt  }
0x7e: {  	_ =	shalt  }
0x7f: {  	_ =	shalt  }
0x80: {  	_ =	shalt  }
0x81: {  	_ =	shalt  }
0x82: {  	_ =	shalt  }
0x83: {  	_ =	shalt  }
0x84: {  	_ =	shalt  }
0x85: {  	_ =	shalt  }
0x86: {  	_ =	shalt  }
0x87: {  	_ =	shalt  }
.Lfunc_end0:
.L_simem_size_0:
called_computation.1_lowered:
.L_overlay_start_0:
0x88: {  	s2 =	sld [smem:$0x3FD9]  }
0x89: {  	s3 =	sld [smem:$0x3FFE];
	_ =	sdelay $0x1  }
0x8a: {  	s1 =	srdreg.scid  }
0x8b: {  	s0 =	sand.u32 $0x1, s1  }
0x8c: {  	s16 =	sshll.u32 s0, $0xA;
	s2 =	sadd.s32 s3, s2  }
0x8d: {  	s2 =	sadd.s32 s2, s16  }
0x8e: {  	[smem:$0x3FB5] =	sst s2  }
0x8f: {  	_ = 	snop  }
0x90: {  	(tm) =	ssettm $0x1  }
0x91: {  	s17 =	sld [smem:$0x3FFB];
	_ =	sdelay $0x3  }
0x92: {  	_ =	strace s17  }
0x93: {  	s2 =	sld [smem:$0x3FFC];
	_ =	sdelay $0x3  }
0x94: {  	_ =	strace s2  }
0x95: {  	s2 =	sld [smem:$0x3FFD];
	_ =	sdelay $0x3  }
0x96: {  	_ =	strace s2  }
0x97: {  	_ =	strace $0x8FFFFFFF  }
0x98: {  	s18 =	sld [smem:$0x3FDB];
	_ =	sdelay $0x1  }
0x99: {  	s19 =	simm.s32 $_scs_section_size  }
0x9a: {  	s4 =	simm.s32 $_size__tile_overlayer_lowered;
	s5 =	simm.s32 $_tile_overlayer_lowered  }
0x9b: {  	s22 =	simm.s32 $0x1BFF;
	s21 =	sshll.u32 s5, $0x1;
	s2 =	sadd.s32 s19, s18  }
0x9c: {  	s6 =	simm.s32 $0x0;
	s20 =	sshll.u32 s4, $0x1;
	s4 =	sadd.s32 s21, s2  }
0x9d: {  	[timem:s6], [sflag:s22] =	dma.local [hbm:s4], s20  }
0x9e: {  	_ =	swait.ge [sflag:s22], s20  }
0x9f: {  	s3 =	ssub.s32 $0x0, s20;
	[sflag:s22] =	ssyncset.done $0x0  }
0xa0: {  	[sflag:s22] =	ssyncadd.s32 s3;
	_ =	sdelay $0x1  }
0xa1: {  	s23 =	simm.s32 $0x1B8B  }
0xa2: {  	_ =	swait.ge [sflag:s23], $0x1  }
0xa3: {  	[sflag:s23] =	ssyncset.done $0x0  }
0xa4: {  	s25 =	simm.s32 $0x1B8E;
	s24 =	sld [smem:$0x3FFE];
	[sflag:s23] =	ssyncadd.s32 $0xFFFFFFFF  }
0xa5: {  	s26 =	simm.s32 $execute0_lowered;
	[smem:$0x3FD2] =	sst s25  }
0xa6: {  	s4 =	sshll.u32 s26, $0x1;
	_ =	strace $0x80000049;
	[dreg:$0x1] =	wrdreg $0xFFFFFFFF  }
0xa7: {  	s28 =	simm.s32 $_size_execute0_lowered;
	s2 =	sadd.s32 s2, s4;
	[dreg:$0x0] =	wrdreg $0x0  }
0xa8: {  	s4 =	sshll.u32 s28, $0x1;
	[dreg:$0x2] =	wrdreg s2  }
0xa9: {  	[dreg:$0x3] =	wrdreg s4  }
0xaa: {  	[dreg:$0x4] =	wrdreg $0xC0  }
0xab: {  	_ =	task [dreg:s6], $0x5FFFF  }
0xac: {  	[dreg:$0x1] =	wrdreg $0xFFFFFFFF  }
0xad: {  	[dreg:$0x0] =	wrdreg $0x60  }
0xae: {  	[dreg:$0x2] =	wrdreg s24  }
0xaf: {  	[dreg:$0x3] =	wrdreg $0xA8000  }
0xb0: {  	[dreg:$0x4] =	wrdreg $0x9  }
0xb1: {  	_ =	task.clear_ibuf [dreg:s6], $0x5FFFF;
	_ =	strace $0x90000049  }
0xb2: {  	s29 =	simm.s32 $0x9;
	_ =	strace $0x8000004B  }
0xb3: {  	_ =	swait.ge [sflag:s29], $0x1  }
0xb4: {  	[sflag:s29] =	ssyncadd.s32 $0xFFFFFFFF  }
0xb5: {  	_ =	strace $0x9000004B  }
0xb6: {  	_ =	sfence  }
0xb7: {  	s30 =	sld [smem:$0x0];
	_ =	sdelay $0x2  }
0xb8: {  	s31 =	sshll.u32 s1, $0xD;
	s1 =	sshrl.u32 s1, $0x2  }
0xb9: {  	s3 =	sand.u32 $0x4000, s31;
	s1 =	sadd.s32 s1, s30  }
0xba: {  	s0 =	sor.u32 s3, s0;
	s1 =	sshll.u32 s1, $0x11  }
0xbb: {  	s0 =	sor.u32 s1, s0  }
0xbc: {  	s0 =	sadd.s32 $0x8F2B, s0  }
0xbd: {  	[sflag:s0] =	ssyncadd.remote.s32 $0x1  }
0xbe: {  	_ =	sfence.sel $0xFFFF  }
0xbf: {  	[dreg:$0x0] =	wrdreg $0xFFFFFFFF;
	(pc) =	sbr.abs _section_cstart, $3  }
0xc0: {  	[dreg:$0x1] =	wrdreg $0xFFFFFFFF  }
0xc1: {  	_ =	task.clear_ibuf [dreg:s6], $0x2FFFF;
	_ =	strace $0x9FFFFFFF  }
0xc2: {  	(tm) =	ssettm $0x7FFFFFFF  }
0xc3: {  	_ =	shalt  }
tec
execute0_lowered:
.L_overlay_start_1:
0x0: {  	(tag) =	ssettag $0x1  }
0x1: {  	s4 =	rddreg [dreg:$0x0]  }
0x2: {  	s0 =	srdreg.scid;
	s10 =	stileid.u32  }
0x3: {  	s1 =	rddreg [dreg:$0x1];
	s2 =	simm.s32 $0x0;
	s14 =	simm.s32 $0x6800  }
0x4: {  	s15 =	simm.s32 $0x80;
	s16 =	simm.s32 $0x2;
	s17 =	simm.s32 $0x2700  }
0x5: {  	s18 =	simm.s32 $0x2780;
	s19 =	simm.s32 $0x0;
	s5 =	sand.u32 $0x1, s0  }
0x6: {  	s3 =	sshll.u32 s10, $0x1;
	s0 =	rddreg [dreg:$0x2];
	s12 =	smul.u32 $0x50000, s10  }
0x7: {  	[smem:$0x7FF] =	sst s2;
	s8 =	sadd.s32 $0xA35000, s4;
	s9 =	smul.u32 $0x27100, s5  }
0x8: {  	p0 =	sne.s32 s10, $0x0;
	s6 =	sor.u32 s5, s3;
	s13 =	smul.u32 $0x28000, s5  }
0x9: {  	s10 =	simm.s32 $0x3;
	s11 =	ssub.s32 $0x2, s5;
	s3 =	smul.u32 $0x500, s6  }
0xa: {  	_ =	strace $0x8000004A;
	s6 =	smul.u32 $0x28000, s6;
	s30 =	sshrl.u32 s11, $0x1  }
0xb: {  	s31 =	sadd.s32 s12, s8;
	s12 =	simm.s32 $0x2800;
	s9 =	sadd.s32 s9, s4  }
0xc: {  	s11 =	ssub.s32 s11, s30;
	s7 =	sadd.s32 s3, s4;
	s3 =	sadd.s32 $0xDE00, s4  }
0xd: {  	s5 =	sadd.s32 s8, s6;
	s6 =	sadd.s32 $0x35000, s9;
	s9 =	sadd.s32 s13, s31  }
0xe: {  	s13 =	simm.s32 $0x1;
	s4 =	sadd.s32 $0x3E00, s7;
	s7 =	smax.u32 s11, $0x1  }
0xf: {  	s8 =	sadd.s32 $0x27800, s5;
	s9 =	sadd.s32 $0x1000, s9;
	s11 =	sshrl.u32 @!p0 s1, $0x3  }
.LBB2_1:
0x10: {  	[tilespmem:s2], [sflag:$0x3] =	stream.linear.gather [hbm4b:s4+s2], $0x2800, $0x38;
	[tilespmem:$0x1E0C0] =	vst v63  }
0x11: {  	_ =	swait.ge [sflag:s10], $0x2800  }
0x12: {  	[sflag:s10] =	ssyncset.done $0x0  }
0x13: {  	s20 =	simm.s32 @!p0 $0x1C03;
	[sflag:s10] =	ssyncadd.s32 $0xFFFFD800  }
0x14: {  	[spmem:s11], [sflag:s20] =	dma.local @!p0 [hbm:s3], $0x27180  }
0x15: {  	s20 =	simm.s32 @!p0 $0x3  }
0x16: {  	_ =	swait.ge @!p0 [sflag:s20], $0x27180  }
0x17: {  	[sflag:s20] =	ssyncset.done @!p0 $0x0  }
0x18: {  	[sflag:s20] =	ssyncadd.s32 @!p0 $0xFFFD8E80  }
0x19: {  	[bflag:$0x0] =	sbarrier.arrive $0xFFFF  }
0x1a: {  	[tilespmem:s12], [sflag:$0x1] =	stream.linear.gather [hbm4b:s5+s2], $0x4000, $0x38;
	[tilespmem:$0x1E0C0] =	vst v63  }
0x1b: {  	_ =	swait.ge [sflag:s13], $0x4000  }
0x1c: {  	[sflag:s13] =	ssyncset.done $0x0  }
0x1d: {  	s29 =	sadd.s32 $0xFFFFF800, s9;
	[sflag:s13] =	ssyncadd.s32 $0xFFFFC000  }
0x1e: {  	[tilespmem:s14], [sflag:$0x2] =	stream.linear.gather [hbm4b:s29+s2], $0x4000, $0x38;
	[tilespmem:$0x1E0C0] =	vst v63  }
0x1f: {  	s30 =	simm.s32 $0x0  }
0x20: {  	[spmem:s1] =	stream.indirect.scatter.add.f32 [tilespmem:s12], [sflag:$0x3], $0x80, s30, s15, $0xb8;
	[tilespmem:$0x1E0C0] =	vst v63  }
0x21: {  	_ =	swait.ge [sflag:s10], $0x4000  }
0x22: {  	[sflag:s10] =	ssyncset.done $0x0  }
0x23: {  	[sflag:s10] =	ssyncadd.s32 $0xFFFFC000  }
0x24: {  	_ =	swait.ge [sflag:s16], $0x4000  }
0x25: {  	[sflag:s16] =	ssyncset.done $0x0  }
0x26: {  	[sflag:s16] =	ssyncadd.s32 $0xFFFFC000  }
0x27: {  	[tilespmem:s12], [sflag:$0x1] =	stream.linear.gather [hbm4b:s9+s2], $0x4000, $0x38;
	[tilespmem:$0x1E0C0] =	vst v63  }
0x28: {  	s31 =	simm.s32 $0x80  }
0x29: {  	[spmem:s1] =	stream.indirect.scatter.add.f32 [tilespmem:s14], [sflag:$0x3], $0x80, s31, s15, $0xb8;
	[tilespmem:$0x1E0C0] =	vst v63  }
0x2a: {  	_ =	swait.ge [sflag:s10], $0x4000  }
0x2b: {  	s21 =	smov.u32 s9;
	s20 =	simm.s32 $0x400;
	[sflag:s10] =	ssyncset.done $0x0  }
.LBB2_2:
0x2c: {  	p1 =	sne.s32 s20, $0x9800;
	[sflag:s10] =	ssyncadd.s32 $0xFFFFC000;
	s21 =	sadd.s32 $0x1000, s21  }
0x2d: {  	s22 =	smov.u32 s20;
	s20 =	sadd.s32 $0x400, s20  }
0x2e: {  	_ =	swait.ge [sflag:s13], $0x4000  }
0x2f: {  	[sflag:s13] =	ssyncset.done $0x0  }
0x30: {  	s23 =	sadd.s32 $0xFFFFF800, s21;
	[sflag:s13] =	ssyncadd.s32 $0xFFFFC000  }
0x31: {  	[tilespmem:s14], [sflag:$0x2] =	stream.linear.gather [hbm4b:s23+s2], $0x4000, $0x38;
	[tilespmem:$0x1E0C0] =	vst v63  }
0x32: {  	s22 =	sshra.s32 s22, $0x2  }
0x33: {  	[spmem:s1] =	stream.indirect.scatter.add.f32 [tilespmem:s12], [sflag:$0x3], $0x80, s22, s15, $0xb8;
	[tilespmem:$0x1E0C0] =	vst v63  }
0x34: {  	_ =	swait.ge [sflag:s10], $0x4000  }
0x35: {  	[sflag:s10] =	ssyncset.done $0x0  }
0x36: {  	[sflag:s10] =	ssyncadd.s32 $0xFFFFC000  }
0x37: {  	_ =	swait.ge [sflag:s16], $0x4000  }
0x38: {  	[sflag:s16] =	ssyncset.done $0x0  }
0x39: {  	[sflag:s16] =	ssyncadd.s32 $0xFFFFC000  }
0x3a: {  	[tilespmem:s12], [sflag:$0x1] =	stream.linear.gather [hbm4b:s21+s2], $0x4000, $0x38;
	[tilespmem:$0x1E0C0] =	vst v63  }
.Ltmp0:
0x3b: {  	_ = 	snop;
	(pc) =	sbr.rel @p1 .LBB2_2-.Ltmp0, $4  }
0x3c: {  	s22 =	sadd.s32 $0x80, s22  }
0x3d: {  	[spmem:s1] =	stream.indirect.scatter.add.f32 [tilespmem:s14], [sflag:$0x3], $0x80, s22, s15, $0xb8;
	[tilespmem:$0x1E0C0] =	vst v63  }
0x3e: {  	_ =	swait.ge [sflag:s10], $0x4000  }
0x3f: {  	[sflag:s10] =	ssyncset.done $0x0  }
0x40: {  	[sflag:s10] =	ssyncadd.s32 $0xFFFFC000  }
0x41: {  	_ =	swait.ge [sflag:s13], $0x4000  }
0x42: {  	[sflag:s13] =	ssyncset.done $0x0  }
0x43: {  	[sflag:s13] =	ssyncadd.s32 $0xFFFFC000  }
0x44: {  	[tilespmem:s14], [sflag:$0x2] =	stream.linear.gather [hbm4b:s8+s2], $0x4000, $0x38;
	[tilespmem:$0x1E0C0] =	vst v63  }
0x45: {  	_ = 	snop  }
0x46: {  	[spmem:s1] =	stream.indirect.scatter.add.f32 [tilespmem:s12], [sflag:$0x3], $0x80, s17, s15, $0xb8;
	[tilespmem:$0x1E0C0] =	vst v63  }
0x47: {  	_ =	swait.ge [sflag:s10], $0x4000  }
0x48: {  	[sflag:s10] =	ssyncset.done $0x0  }
0x49: {  	[sflag:s10] =	ssyncadd.s32 $0xFFFFC000  }
0x4a: {  	_ =	swait.ge [sflag:s16], $0x4000  }
0x4b: {  	[sflag:s16] =	ssyncset.done $0x0  }
0x4c: {  	[sflag:s16] =	ssyncadd.s32 $0xFFFFC000  }
0x4d: {  	[spmem:s1] =	stream.indirect.scatter.add.f32 [tilespmem:s14], [sflag:$0x3], $0x80, s18, s15, $0xb8;
	[tilespmem:$0x1E0C0] =	vst v63  }
0x4e: {  	_ =	swait.ge [sflag:s10], $0x4000  }
0x4f: {  	[sflag:s10] =	ssyncset.done $0x0  }
0x50: {  	s19 =	sadd.s32 $0x1, s19;
	[sflag:s10] =	ssyncadd.s32 $0xFFFFC000  }
0x51: {  	s20 =	simm.s32 @!p0 $0x1C03;
	p1 =	sne.s32 s19, s7;
	[bflag:$0x0] =	sbarrier.arrive $0xFFFF  }
0x52: {  	[hbm:s6], [sflag:s20] =	dma.local @!p0 [spmem:s11], $0x27100  }
.Ltmp1:
0x53: {  	_ = 	snop;
	(pc) =	sbr.rel @p1 .LBB2_1-.Ltmp1, $4  }
0x54: {  	s20 =	simm.s32 @!p0 $0x3  }
0x55: {  	_ =	swait.ge @!p0 [sflag:s20], $0x27100  }
0x56: {  	[sflag:s20] =	ssyncset.done @!p0 $0x0  }
0x57: {  	[sflag:s20] =	ssyncadd.s32 @!p0 $0xFFFD8F00  }
0x58: {  	_ =	sfence.sel $0x180000  }
0x59: {  	[bflag:$0x0] =	sbarrier.arrive $0xFFFF  }
0x5a: {  	_ =	strace $0x9000004A  }
0x5b: {  	s0 =	sadd.s32 @!p0 $0x100000, s0;
	[bflag:$0x2] =	sbarrier.arrive $0xFFFF  }
0x5c: {  	[sflag:s0] =	ssyncadd.tile.s32 @!p0 $0x1;
	_ =	shalt  }
.Lfunc_end2:
_tile_overlayer_lowered:
.L_overlay_start_2:
0x5d: {  	(tag) =	ssettag $0x2  }
0x5e: {  	s0 =	rddreg [dreg:$0x0];
	s2 =	stileid.u32  }
0x5f: {  	s1 =	rddreg [dreg:$0x1];
	p0 =	sne.s32 s2, $0x0  }
0x60: {  	s3 =	rddreg [dreg:$0x2];
	[bflag:$0x3] =	sbarrier.arrive $0xFFFF;
	s2 =	simm.s32 @!p0 $0x1C03  }
0x61: {  	[timem:s3], [sflag:s2] =	dma.local @!p0 [hbm:s0], s1  }
0x62: {  	s0 =	simm.s32 @!p0 $0x3  }
0x63: {  	_ =	swait.ge @!p0 [sflag:s0], s1  }
0x64: {  	s1 =	ssub.s32 @!p0 $0x0, s1;
	[sflag:s0] =	ssyncset.done @!p0 $0x0  }
0x65: {  	[sflag:s0] =	ssyncadd.s32 @!p0 s1  }
0x66: {  	[bflag:$0x3] =	sbarrier.arrive $0xFFFF  }
0x67: {  	_ =	shalt  }

// kernel: kernel.7.cloned.1.call-start
scs
__scs_entry_jumppad:
0x0: {  	(pc) =	sbr.rel $0x88, $3  }
0x1: {  	(tag) =	ssettag $0x0;
	lr =	simm.s32 $0x1  }
0x2: {  	[smem:$0x3F8E] =	sst lr;
	_ =	strace $0xD0000000  }
0x3: {  	_ = 	snop  }
0x4: {  	_ = 	snop  }
0x5: {  	_ = 	snop  }
0x6: {  	_ = 	snop  }
0x7: {  	_ = 	snop  }
__scs_overlays_trampoline_lowered:
0x8: {  	[smem:$0x3F9D] =	sst s0  }
0x9: {  	[smem:$0x3F9E] =	sst s1  }
0xa: {  	[smem:$0x3F9F] =	sst s2  }
0xb: {  	[smem:$0x3FA0] =	sst s3  }
0xc: {  	[smem:$0x3FA1] =	sst s4  }
0xd: {  	[smem:$0x3FA2] =	sst s5  }
0xe: {  	[smem:$0x3FA3] =	sst s6  }
0xf: {  	[smem:$0x3FA4] =	sst s7  }
0x10: {  	[smem:$0x3FA5] =	sst s8  }
0x11: {  	[smem:$0x3FA6] =	sst s9;
	s0 =	simm.s32 @!p0 $0x0  }
0x12: {  	s1 =	sld [smem:$0x3F8C];
	s0 =	simm.s32 @p0 $0x1  }
0x13: {  	[smem:$0x3FA7] =	sst s0;
	s0 =	simm.s32 @!p1 $0x0  }
0x14: {  	s2 =	sld [smem:$0x3F8B];
	s0 =	simm.s32 @p1 $0x1  }
0x15: {  	[smem:$0x3FA8] =	sst s0;
	s0 =	simm.s32 @!p2 $0x0  }
0x16: {  	s3 =	sld [smem:$0x3FDB];
	s0 =	simm.s32 @p2 $0x1  }
0x17: {  	s4 =	simm.s32 $0x1BF5;
	[smem:$0x3FAA] =	sst s0  }
0x18: {  	s0 =	sld [smem:$0x3F8D];
	_ =	swait.ge [sflag:s4], $0x0  }
0x19: {  	s7 =	sld [smem:$0x3F8E]  }
0x1a: {  	s8 =	sadd.s32 $0xFFFFE003, lr  }
0x1b: {  	s9 =	sadd.s32 $0xFFFFFEF7, lr;
	s5 =	simm.s32 $0xFFFFFFFF;
	p2 =	slt.u32 s8, $0xFFFFF086  }
0x1c: {  	p1 =	slt.u32 s9, $0xF7A;
	s5 =	simm.s32 @!p2 $0x0  }
0x1d: {  	s5 =	simm.s32 @p1 $0x1;
	p0 =	seq.s32 s7, s2  }
0x1e: {  	s7 =	smul.u32 @!p0 $0xF7A, s2;
	p2 =	seq.s32 @!p0 s5, $0x0  }
0x1f: {  	s9 =	smul.u32 $0xF7A, s1;
	s8 =	simm.s32 @!p0 $0x1BF5;
	p2 =	por !p2, p0  }
0x20: {  	[sflag:s8] =	ssyncset.s32 @!p0 $0xFFFFF086;
	s6 =	sadd.s32 @!p0 s3, s7;
	s7 =	simm.s32 @!p0 $0x108  }
0x21: {  	s3 =	sadd.s32 s3, s9;
	s6 =	sadd.s32 @!p0 $0x88, s6;
	s7 =	simm.s32 @p2 $0x1082  }
0x22: {  	[simem:s7], [sflag:s8] =	dma.local @!p0 [hbm:s6], $0xF7A  }
0x23: {  	s9 =	sor.u32 $0xD0000000, s2;
	s6 =	simm.s32 $0x108;
	_ =	swait.ge @!p0 [sflag:s8], $0x0  }
0x24: {  	s3 =	sadd.s32 $0x88, s3;
	s6 =	simm.s32 @!p1 $0x1082;
	[sflag:s4] =	ssyncset.s32 $0xFFFFF086  }
0x25: {  	[simem:s6], [sflag:s4] =	dma.local [hbm:s3], $0xF7A  }
0x26: {  	[smem:$0x3F8E] =	sst s1;
	(tag) =	ssettag s2;
	_ =	strace s9  }
0x27: {  	s1 =	sld [smem:$0x3F9E]  }
0x28: {  	s2 =	sld [smem:$0x3F9F]  }
0x29: {  	s4 =	sld [smem:$0x3FA1]  }
0x2a: {  	p0 =	seq.s32 s5, $0x0;
	s5 =	sld [smem:$0x3FA2]  }
0x2b: {  	s6 =	sld [smem:$0x3FA3]  }
0x2c: {  	s7 =	sld [smem:$0x3FA4]  }
0x2d: {  	s3 =	simm.s32 $0x108;
	s8 =	sld [smem:$0x3FA5]  }
0x2e: {  	s3 =	simm.s32 @!p0 $0x1082;
	s9 =	sld [smem:$0x3FA6]  }
0x2f: {  	lr =	sadd.s32 s0, s3;
	s0 =	sld [smem:$0x3F9D]  }
0x30: {  	s3 =	sld [smem:$0x3FA0]  }
0x31: {  	[smem:$0x3FA9] =	sst s10  }
0x32: {  	s10 =	sld [smem:$0x3FA7];
	_ =	sdelay $0x3  }
0x33: {  	p0 =	seq.s32 s10, $0x1;
	s10 =	sld [smem:$0x3FA9];
	_ =	sdelay $0x3  }
0x34: {  	[smem:$0x3FA9] =	sst s10  }
0x35: {  	s10 =	sld [smem:$0x3FA8];
	_ =	sdelay $0x3  }
0x36: {  	p1 =	seq.s32 s10, $0x1;
	s10 =	sld [smem:$0x3FA9];
	_ =	sdelay $0x3  }
0x37: {  	[smem:$0x3FA9] =	sst s10  }
0x38: {  	s10 =	sld [smem:$0x3FAA]  }
0x39: {  	_ = 	snop;
	(pc) =	sbr.ind lr, $3  }
0x3a: {  	_ = 	snop  }
0x3b: {  	_ = 	snop  }
0x3c: {  	p2 =	seq.s32 s10, $0x1;
	s10 =	sld [smem:$0x3FA9]  }
0x3d: {  	_ =	shalt  }
0x3e: {  	_ =	shalt  }
0x3f: {  	_ =	shalt  }
0x40: {  	_ =	shalt  }
0x41: {  	_ =	shalt  }
0x42: {  	_ =	shalt  }
0x43: {  	_ =	shalt  }
0x44: {  	_ =	shalt  }
0x45: {  	_ =	shalt  }
0x46: {  	_ =	shalt  }
0x47: {  	_ =	shalt  }
0x48: {  	_ =	shalt  }
0x49: {  	_ =	shalt  }
0x4a: {  	_ =	shalt  }
0x4b: {  	_ =	shalt  }
0x4c: {  	_ =	shalt  }
0x4d: {  	_ =	shalt  }
0x4e: {  	_ =	shalt  }
0x4f: {  	_ =	shalt  }
0x50: {  	_ =	shalt  }
0x51: {  	_ =	shalt  }
0x52: {  	_ =	shalt  }
0x53: {  	_ =	shalt  }
0x54: {  	_ =	shalt  }
0x55: {  	_ =	shalt  }
0x56: {  	_ =	shalt  }
0x57: {  	_ =	shalt  }
0x58: {  	_ =	shalt  }
0x59: {  	_ =	shalt  }
0x5a: {  	_ =	shalt  }
0x5b: {  	_ =	shalt  }
0x5c: {  	_ =	shalt  }
0x5d: {  	_ =	shalt  }
0x5e: {  	_ =	shalt  }
0x5f: {  	_ =	shalt  }
0x60: {  	_ =	shalt  }
0x61: {  	_ =	shalt  }
0x62: {  	_ =	shalt  }
0x63: {  	_ =	shalt  }
0x64: {  	_ =	shalt  }
0x65: {  	_ =	shalt  }
0x66: {  	_ =	shalt  }
0x67: {  	_ =	shalt  }
0x68: {  	_ =	shalt  }
0x69: {  	_ =	shalt  }
0x6a: {  	_ =	shalt  }
0x6b: {  	_ =	shalt  }
0x6c: {  	_ =	shalt  }
0x6d: {  	_ =	shalt  }
0x6e: {  	_ =	shalt  }
0x6f: {  	_ =	shalt  }
0x70: {  	_ =	shalt  }
0x71: {  	_ =	shalt  }
0x72: {  	_ =	shalt  }
0x73: {  	_ =	shalt  }
0x74: {  	_ =	shalt  }
0x75: {  	_ =	shalt  }
0x76: {  	_ =	shalt  }
0x77: {  	_ =	shalt  }
0x78: {  	_ =	shalt  }
0x79: {  	_ =	shalt  }
0x7a: {  	_ =	shalt  }
0x7b: {  	_ =	shalt  }
0x7c: {  	_ =	shalt  }
0x7d: {  	_ =	shalt  }
0x7e: {  	_ =	shalt  }
0x7f: {  	_ =	shalt  }
0x80: {  	_ =	shalt  }
0x81: {  	_ =	shalt  }
0x82: {  	_ =	shalt  }
0x83: {  	_ =	shalt  }
0x84: {  	_ =	shalt  }
0x85: {  	_ =	shalt  }
0x86: {  	_ =	shalt  }
0x87: {  	_ =	shalt  }
.Lfunc_end0:
.L_simem_size_0:
called_computation_lowered:
.L_overlay_start_0:
0x88: {  	s2 =	sld [smem:$0x3FD9]  }
0x89: {  	s3 =	sld [smem:$0x3FFE];
	_ =	sdelay $0x1  }
0x8a: {  	s1 =	srdreg.scid  }
0x8b: {  	s0 =	sand.u32 $0x1, s1  }
0x8c: {  	s14 =	sshll.u32 s0, $0xA;
	s2 =	sadd.s32 s3, s2  }
0x8d: {  	s2 =	sadd.s32 s2, s14  }
0x8e: {  	[smem:$0x3FB5] =	sst s2  }
0x8f: {  	_ = 	snop  }
0x90: {  	s2 =	sld [smem:$0x3FD0];
	_ =	sdelay $0x2  }
0x91: {  	s15 =	simm.s32 $0xA;
	s4 =	simm.s32 $0x10  }
0x92: {  	[smem:s4], [sflag:s15] =	dma.local [hbm:s2], $0x1  }
0x93: {  	_ =	swait.eq [sflag:s15], $0x1  }
0x94: {  	[sflag:s15] =	ssyncset.done $0x0  }
0x95: {  	s16 =	sld [smem:$0x10];
	[sflag:s15] =	ssyncadd.s32 $0xFFFFFFFF  }
0x96: {  	s17 =	sld [smem:$0x11];
	(tm) =	ssettm $0x1  }
0x97: {  	s18 =	sld [smem:$0x3FFB];
	_ =	sdelay $0x3  }
0x98: {  	_ =	strace s18  }
0x99: {  	s4 =	sld [smem:$0x3FFC];
	_ =	sdelay $0x3  }
0x9a: {  	_ =	strace s4  }
0x9b: {  	s4 =	sld [smem:$0x3FFD];
	_ =	sdelay $0x3  }
0x9c: {  	_ =	strace s4  }
0x9d: {  	_ =	strace $0x8FFFFFFF  }
0x9e: {  	s19 =	sld [smem:$0x3FDB];
	_ =	sdelay $0x1  }
0x9f: {  	s5 =	simm.s32 $_scs_section_size  }
0xa0: {  	s6 =	simm.s32 $_size__tile_overlayer_lowered;
	s7 =	simm.s32 $_tile_overlayer_lowered  }
0xa1: {  	s22 =	simm.s32 $0x1BFF;
	s21 =	sshll.u32 s7, $0x1;
	s4 =	sadd.s32 s5, s19  }
0xa2: {  	s8 =	simm.s32 $0x0;
	s20 =	sshll.u32 s6, $0x1;
	s6 =	sadd.s32 s21, s4  }
0xa3: {  	[timem:s8], [sflag:s22] =	dma.local [hbm:s6], s20  }
0xa4: {  	_ =	swait.ge [sflag:s22], s20  }
0xa5: {  	s5 =	ssub.s32 $0x0, s20;
	[sflag:s22] =	ssyncset.done $0x0  }
0xa6: {  	[sflag:s22] =	ssyncadd.s32 s5;
	_ =	sdelay $0x1  }
0xa7: {  	s23 =	simm.s32 $0x1B8B  }
0xa8: {  	_ =	swait.ge [sflag:s23], $0x1  }
0xa9: {  	[sflag:s23] =	ssyncset.done $0x0  }
0xaa: {  	s25 =	simm.s32 $0x1B8E;
	s24 =	sld [smem:$0x3FFE];
	[sflag:s23] =	ssyncadd.s32 $0xFFFFFFFF  }
0xab: {  	s26 =	simm.s32 $execute0_lowered;
	[smem:$0x3FD2] =	sst s25  }
0xac: {  	s6 =	sshll.u32 s26, $0x1;
	_ =	strace $0x80000046;
	[dreg:$0x1] =	wrdreg $0xFFFFFFFF  }
0xad: {  	s28 =	simm.s32 $_size_execute0_lowered;
	s4 =	sadd.s32 s4, s6;
	[dreg:$0x0] =	wrdreg $0x0  }
0xae: {  	s6 =	sshll.u32 s28, $0x1;
	[dreg:$0x2] =	wrdreg s4  }
0xaf: {  	[dreg:$0x3] =	wrdreg s6  }
0xb0: {  	[dreg:$0x4] =	wrdreg $0xC0  }
0xb1: {  	_ =	task [dreg:s8], $0x5FFFF  }
0xb2: {  	[dreg:$0x1] =	wrdreg $0xFFFFFFFF  }
0xb3: {  	[dreg:$0x0] =	wrdreg $0x60  }
0xb4: {  	[dreg:$0x2] =	wrdreg s16  }
0xb5: {  	[dreg:$0x3] =	wrdreg s24  }
0xb6: {  	[dreg:$0x4] =	wrdreg s17  }
0xb7: {  	[dreg:$0x5] =	wrdreg $0x9  }
0xb8: {  	_ =	task.clear_ibuf [dreg:s8], $0x6FFFF;
	_ =	strace $0x90000046  }
0xb9: {  	s29 =	simm.s32 $0x9;
	_ =	strace $0x80000048  }
0xba: {  	_ =	swait.ge [sflag:s29], $0x1  }
0xbb: {  	[sflag:s29] =	ssyncadd.s32 $0xFFFFFFFF  }
0xbc: {  	_ =	strace $0x90000048  }
0xbd: {  	_ =	sfence  }
0xbe: {  	s30 =	sld [smem:$0x0];
	_ =	sdelay $0x2  }
0xbf: {  	s31 =	sshll.u32 s1, $0xD;
	s1 =	sshrl.u32 s1, $0x2  }
0xc0: {  	s3 =	sand.u32 $0x4000, s31;
	s1 =	sadd.s32 s1, s30  }
0xc1: {  	s0 =	sor.u32 s3, s0;
	s1 =	sshll.u32 s1, $0x11  }
0xc2: {  	s0 =	sor.u32 s1, s0  }
0xc3: {  	s0 =	sadd.s32 $0x8F2B, s0  }
0xc4: {  	[sflag:s0] =	ssyncadd.remote.s32 $0x1  }
0xc5: {  	_ =	sfence.sel $0xFFFF  }
0xc6: {  	[dreg:$0x0] =	wrdreg $0xFFFFFFFF;
	(pc) =	sbr.abs _section_cstart, $3  }
0xc7: {  	[dreg:$0x1] =	wrdreg $0xFFFFFFFF  }
0xc8: {  	_ =	task.clear_ibuf [dreg:s8], $0x2FFFF;
	_ =	strace $0x9FFFFFFF  }
0xc9: {  	(tm) =	ssettm $0x7FFFFFFF  }
tec
execute0_lowered:
.L_overlay_start_1:
0x0: {  	(tag) =	ssettag $0x1  }
0x1: {  	s6 =	rddreg [dreg:$0x0]  }
0x2: {  	s1 =	srdreg.scid;
	s5 =	rddreg [dreg:$0x1]  }
0x3: {  	s0 =	stileid.u32;
	s2 =	rddreg [dreg:$0x2]  }
0x4: {  	s3 =	simm.s32 $0x0;
	s14 =	simm.s32 $0x1;
	s15 =	simm.s32 $0x2  }
0x5: {  	s16 =	simm.s32 $0x0;
	s7 =	sand.u32 $0x1, s1;
	s1 =	rddreg [dreg:$0x3]  }
0x6: {  	s4 =	sshll.u32 s0, $0x5;
	[smem:$0x7FF] =	sst s3;
	s13 =	sshll.u32 s0, $0xC  }
0x7: {  	s8 =	sshll.u32 s7, $0x4;
	s10 =	ssub.s32 $0x2, s7;
	_ =	strace $0x80000047  }
0x8: {  	s28 =	sadd.s32 s13, s5;
	s30 =	sshll.u32 s7, $0xB;
	s13 =	simm.s32 $0x4100  }
0x9: {  	s8 =	sor.u32 s8, s4;
	s12 =	sshrl.u32 s10, $0x1;
	s4 =	sadd.s32 $0xDE00, s5  }
0xa: {  	s31 =	sadd.s32 s30, s28;
	s9 =	sand.u32 $0x180, s8;
	s10 =	ssub.s32 s10, s12  }
0xb: {  	s8 =	sand.u32 $0x70, s8;
	s12 =	simm.s32 $0x100;
	s11 =	sadd.s32 s9, s5  }
0xc: {  	s5 =	smax.u32 s10, $0x1;
	s6 =	sadd.s32 s9, s6;
	s9 =	sadd.s32 $0x35000, s31  }
0xd: {  	s10 =	simm.s32 $0x3;
	s29 =	sadd.s32 s8, s11;
	s6 =	sadd.s32 s8, s6  }
0xe: {  	s8 =	sadd.s32 $0x535000, s31;
	s11 =	simm.s32 $0x80;
	s7 =	sadd.s32 $0x3E00, s29  }
.LBB2_1:
0xf: {  	s17 =	sadd.s32 $0x0, s6  }
0x10: {  	[tilespmem:s3], [sflag:$0x3] =	stream.linear.gather [hbm4b:s17+s3], $0x80, $0x38;
	[tilespmem:$0x8100] =	vst v63  }
0x11: {  	_ =	swait.ge [sflag:s10], $0x80  }
0x12: {  	[sflag:s10] =	ssyncset.done $0x0  }
0x13: {  	s31 =	sadd.s32 $0x0, s7;
	[sflag:s10] =	ssyncadd.s32 $0xFFFFFF80  }
0x14: {  	[tilespmem:s11], [sflag:$0x3] =	stream.linear.gather [hbm4b:s31+s3], $0x80, $0x38;
	[tilespmem:$0x8100] =	vst v63  }
0x15: {  	_ =	swait.ge [sflag:s10], $0x80  }
0x16: {  	[sflag:s10] =	ssyncset.done $0x0  }
0x17: {  	[sflag:s10] =	ssyncadd.s32 $0xFFFFFF80  }
0x18: {  	[tilespmem:s12], [sflag:$0x1] =	stream.indirect.gather [hbm4b:s2+s11], $0x80, s3, s11, $0xb8;
	[tilespmem:$0x8100] =	vst v63  }
0x19: {  	_ = 	snop  }
0x1a: {  	[tilespmem:s13], [sflag:$0x2] =	stream.indirect.gather [hbm4b:s4+s11], $0x80, s11, s11, $0xb8;
	[tilespmem:$0x8100] =	vst v63  }
0x1b: {  	_ =	swait.ge [sflag:s14], $0x4000  }
0x1c: {  	[sflag:s14] =	ssyncset.done $0x0  }
0x1d: {  	[sflag:s14] =	ssyncadd.s32 $0xFFFFC000  }
0x1e: {  	_ =	swait.ge [sflag:s15], $0x4000  }
0x1f: {  	[sflag:s15] =	ssyncset.done $0x0  }
0x20: {  	[sflag:s15] =	ssyncadd.s32 $0xFFFFC000  }
0x21: {  	[hbm4b:s9+s3] =	stream.linear.scatter [tilespmem:s12], [sflag:$0x3], $0x4000, $0x38;
	[tilespmem:$0x8100] =	vst v63  }
0x22: {  	_ =	swait.ge [sflag:s10], $0x4000  }
0x23: {  	[sflag:s10] =	ssyncset.done $0x0  }
0x24: {  	[sflag:s10] =	ssyncadd.s32 $0xFFFFC000  }
0x25: {  	[hbm4b:s8+s3] =	stream.linear.scatter [tilespmem:s13], [sflag:$0x3], $0x4000, $0x38;
	[tilespmem:$0x8100] =	vst v63  }
0x26: {  	s19 =	simm.s32 $0x200;
	s20 =	simm.s32 $0x400;
	_ =	swait.ge [sflag:s10], $0x4000  }
0x27: {  	s18 =	sadd.s32 $0x10000, s9;
	s17 =	sadd.s32 $0x10000, s8;
	[sflag:s10] =	ssyncset.done $0x0  }
.LBB2_2:
0x28: {  	s21 =	sadd.s32 s19, s6  }
0x29: {  	[sflag:s10] =	ssyncadd.s32 $0xFFFFC000;
	s22 =	smov.u32 s20;
	s23 =	sadd.s32 $0x200, s20  }
0x2a: {  	[tilespmem:s3], [sflag:$0x3] =	stream.linear.gather [hbm4b:s21+s3], $0x80, $0x38;
	[tilespmem:$0x8100] =	vst v63  }
0x2b: {  	p0 =	sne.s32 s20, $0x9E00;
	_ =	swait.ge [sflag:s10], $0x80  }
0x2c: {  	[sflag:s10] =	ssyncset.done $0x0  }
0x2d: {  	s20 =	sadd.s32 s19, s7;
	s19 =	smov.u32 s22;
	[sflag:s10] =	ssyncadd.s32 $0xFFFFFF80  }
0x2e: {  	[tilespmem:s11], [sflag:$0x3] =	stream.linear.gather [hbm4b:s20+s3], $0x80, $0x38;
	[tilespmem:$0x8100] =	vst v63  }
0x2f: {  	_ =	swait.ge [sflag:s10], $0x80  }
0x30: {  	[sflag:s10] =	ssyncset.done $0x0  }
0x31: {  	[sflag:s10] =	ssyncadd.s32 $0xFFFFFF80  }
0x32: {  	[tilespmem:s12], [sflag:$0x1] =	stream.indirect.gather [hbm4b:s2+s11], $0x80, s3, s11, $0xb8;
	[tilespmem:$0x8100] =	vst v63  }
0x33: {  	_ = 	snop  }
0x34: {  	[tilespmem:s13], [sflag:$0x2] =	stream.indirect.gather [hbm4b:s4+s11], $0x80, s11, s11, $0xb8;
	[tilespmem:$0x8100] =	vst v63  }
0x35: {  	_ =	swait.ge [sflag:s14], $0x4000  }
0x36: {  	[sflag:s14] =	ssyncset.done $0x0  }
0x37: {  	[sflag:s14] =	ssyncadd.s32 $0xFFFFC000  }
0x38: {  	_ =	swait.ge [sflag:s15], $0x4000  }
0x39: {  	[sflag:s15] =	ssyncset.done $0x0  }
0x3a: {  	[sflag:s15] =	ssyncadd.s32 $0xFFFFC000  }
0x3b: {  	[hbm4b:s18+s3] =	stream.linear.scatter [tilespmem:s12], [sflag:$0x3], $0x4000, $0x38;
	[tilespmem:$0x8100] =	vst v63  }
0x3c: {  	_ =	swait.ge [sflag:s10], $0x4000  }
.Ltmp0:
0x3d: {  	[sflag:s10] =	ssyncset.done $0x0;
	(pc) =	sbr.rel @p0 .LBB2_2-.Ltmp0, $4  }
0x3e: {  	[sflag:s10] =	ssyncadd.s32 $0xFFFFC000  }
0x3f: {  	[hbm4b:s17+s3] =	stream.linear.scatter [tilespmem:s13], [sflag:$0x3], $0x4000, $0x38;
	[tilespmem:$0x8100] =	vst v63  }
0x40: {  	s20 =	smov.u32 s23;
	_ =	swait.ge [sflag:s10], $0x4000  }
0x41: {  	s18 =	sadd.s32 $0x10000, s18;
	s17 =	sadd.s32 $0x10000, s17;
	[sflag:s10] =	ssyncset.done $0x0  }
0x42: {  	s20 =	sadd.s32 s19, s6;
	[sflag:s10] =	ssyncadd.s32 $0xFFFFC000  }
0x43: {  	[tilespmem:s3], [sflag:$0x3] =	stream.linear.gather [hbm4b:s20+s3], $0x80, $0x38;
	[tilespmem:$0x8100] =	vst v63  }
0x44: {  	_ =	swait.ge [sflag:s10], $0x80  }
0x45: {  	[sflag:s10] =	ssyncset.done $0x0  }
0x46: {  	s31 =	sadd.s32 s19, s7;
	[sflag:s10] =	ssyncadd.s32 $0xFFFFFF80  }
0x47: {  	[tilespmem:s11], [sflag:$0x3] =	stream.linear.gather [hbm4b:s31+s3], $0x80, $0x38;
	[tilespmem:$0x8100] =	vst v63  }
0x48: {  	_ =	swait.ge [sflag:s10], $0x80  }
0x49: {  	[sflag:s10] =	ssyncset.done $0x0  }
0x4a: {  	[sflag:s10] =	ssyncadd.s32 $0xFFFFFF80  }
0x4b: {  	[tilespmem:s12], [sflag:$0x1] =	stream.indirect.gather [hbm4b:s2+s11], $0x80, s3, s11, $0xb8;
	[tilespmem:$0x8100] =	vst v63  }
0x4c: {  	_ = 	snop  }
0x4d: {  	[tilespmem:s13], [sflag:$0x2] =	stream.indirect.gather [hbm4b:s4+s11], $0x80, s11, s11, $0xb8;
	[tilespmem:$0x8100] =	vst v63  }
0x4e: {  	_ =	swait.ge [sflag:s14], $0x4000  }
0x4f: {  	[sflag:s14] =	ssyncset.done $0x0  }
0x50: {  	[sflag:s14] =	ssyncadd.s32 $0xFFFFC000  }
0x51: {  	_ =	swait.ge [sflag:s15], $0x4000  }
0x52: {  	[sflag:s15] =	ssyncset.done $0x0  }
0x53: {  	[sflag:s15] =	ssyncadd.s32 $0xFFFFC000  }
0x54: {  	[hbm4b:s18+s3] =	stream.linear.scatter [tilespmem:s12], [sflag:$0x3], $0x4000, $0x38;
	[tilespmem:$0x8100] =	vst v63  }
0x55: {  	s16 =	sadd.s32 $0x1, s16;
	_ =	swait.ge [sflag:s10], $0x4000  }
0x56: {  	p0 =	sne.s32 s16, s5;
	[sflag:s10] =	ssyncset.done $0x0  }
.Ltmp1:
0x57: {  	[sflag:s10] =	ssyncadd.s32 $0xFFFFC000;
	(pc) =	sbr.rel @p0 .LBB2_1-.Ltmp1, $4  }
0x58: {  	[hbm4b:s17+s3] =	stream.linear.scatter [tilespmem:s13], [sflag:$0x3], $0x4000, $0x38;
	[tilespmem:$0x8100] =	vst v63  }
0x59: {  	_ =	swait.ge [sflag:s10], $0x4000  }
0x5a: {  	[sflag:s10] =	ssyncset.done $0x0  }
0x5b: {  	[sflag:s10] =	ssyncadd.s32 $0xFFFFC000  }
0x5c: {  	_ =	sfence.sel $0x180000  }
0x5d: {  	[bflag:$0x0] =	sbarrier.arrive $0xFFFF  }
0x5e: {  	p0 =	sne.s32 s0, $0x0;
	_ =	strace $0x90000047  }
0x5f: {  	s0 =	sadd.s32 @!p0 $0x100000, s1;
	[bflag:$0x2] =	sbarrier.arrive $0xFFFF  }
0x60: {  	[sflag:s0] =	ssyncadd.tile.s32 @!p0 $0x1;
	_ =	shalt  }
.Lfunc_end2:
_tile_overlayer_lowered:
.L_overlay_start_2:
0x61: {  	(tag) =	ssettag $0x2  }
0x62: {  	s0 =	rddreg [dreg:$0x0];
	s2 =	stileid.u32  }
0x63: {  	s1 =	rddreg [dreg:$0x1];
	p0 =	sne.s32 s2, $0x0  }
0x64: {  	s3 =	rddreg [dreg:$0x2];
	[bflag:$0x3] =	sbarrier.arrive $0xFFFF;
	s2 =	simm.s32 @!p0 $0x1C03  }
0x65: {  	[timem:s3], [sflag:s2] =	dma.local @!p0 [hbm:s0], s1  }
0x66: {  	s0 =	simm.s32 @!p0 $0x3  }
0x67: {  	_ =	swait.ge @!p0 [sflag:s0], s1  }
0x68: {  	s1 =	ssub.s32 @!p0 $0x0, s1;
	[sflag:s0] =	ssyncset.done @!p0 $0x0  }
0x69: {  	[sflag:s0] =	ssyncadd.s32 @!p0 s1  }
0x6a: {  	[bflag:$0x3] =	sbarrier.arrive $0xFFFF  }
0x6b: {  	_ =	shalt  }

</sc_bundles>
